<compile_context>
chip_gen: v7x
topology: tpu7x:2x2x1
jax: 0.10.2.dev20260603
libtpu: 0.0.44.dev20260713+nightly
codegen_flags: <defaults>
</compile_context>

<pallas_src>
import functools

import jax
import jax.numpy as jnp
import numpy as np
from jax import lax
from jax.experimental import pallas as pl
from jax.experimental.pallas import tpu as pltpu
from jax.experimental.pallas import tpu_sc as plsc

N_E = 1024
E_DIM = 256
N_CHANNEL = 4
D_MODEL = 1024
BETA = 0.25

_TOK_BLK = 512
_ROW_BLK = _TOK_BLK * N_CHANNEL

_TINY = np.float32(1.1754944e-38)


@functools.lru_cache(maxsize=1)
def _uniform_table(n_rows: int, n_cols: int):
    rot1 = (13, 15, 26, 6)
    rot2 = (17, 29, 16, 24)
    ks = (np.uint32(0), np.uint32(42),
          np.uint32(0) ^ np.uint32(42) ^ np.uint32(0x1BD11BDA))
    with np.errstate(over="ignore"):
        x1 = np.arange(n_rows * n_cols, dtype=np.uint32) + ks[1]
        x0 = np.full_like(x1, ks[0])
        for i in range(5):
            for r in (rot1 if i % 2 == 0 else rot2):
                x0 = x0 + x1
                x1 = (x1 << np.uint32(r)) | (x1 >> np.uint32(32 - r))
                x1 ^= x0
            x0 = x0 + ks[(i + 1) % 3]
            x1 = x1 + (ks[(i + 2) % 3] + np.uint32(i + 1))
    bits = x0 ^ x1
    f = ((bits >> np.uint32(9)) | np.uint32(0x3F800000)).view(np.float32)
    return (f - np.float32(1.0)).reshape(n_rows, n_cols)


def _sample_kernel(u_ref, z_ref, fc0_w_ref, fc0_b_ref, emb_ref, emb_m2_ref,
                   idx_ref, loss_ref):
    i = pl.program_id(0)

    emb = emb_ref[...]
    e_blk = jax.lax.dot_general(
        z_ref[...], fc0_w_ref[...], (((1,), (1,)), ((), ())),
        preferred_element_type=jnp.float32) + fc0_b_ref[...]
    cz = e_blk.reshape(_ROW_BLK, E_DIM)

    s_z = jnp.sum(cz * cz, axis=1, keepdims=True)
    s_e = jnp.sum(emb * emb, axis=1)[None, :]
    cross_m2 = jax.lax.dot_general(
        cz, emb_m2_ref[...], (((1,), (1,)), ((), ())),
        preferred_element_type=jnp.float32)
    logits = (s_z + s_e) + cross_m2
    ls = logits - jnp.max(logits, axis=1, keepdims=True)

    g = -jnp.log(-jnp.log(jnp.maximum(u_ref[...], _TINY)))
    y = g + ls
    m = jnp.max(y, axis=1, keepdims=True)
    colf = jax.lax.broadcasted_iota(jnp.int32, (_ROW_BLK, N_E), 1)
    idx = jnp.min(jnp.where(y == m, colf, jnp.int32(N_E)), axis=1)
    sel = colf == idx[:, None]
    idx_ref[...] = idx.reshape(1, 1, _ROW_BLK)

    part = jnp.sum(jnp.where(sel, logits, jnp.float32(0.0)))

    @pl.when(i == 0)
    def _():
        loss_ref[...] = jnp.zeros((1, 1), jnp.float32)

    loss_ref[...] += part.reshape(1, 1)


def _fc1_kernel(czq_ref, fc1_w_ref, fc1_b_ref, zq_ref):
    q_blk = czq_ref[...].reshape(_TOK_BLK, N_CHANNEL * E_DIM)
    zq_ref[...] = jax.lax.dot_general(
        q_blk, fc1_w_ref[...], (((1,), (1,)), ((), ())),
        preferred_element_type=jnp.float32) + fc1_b_ref[...]


def _sc_gather(n_rows):
    info = plsc.get_sparse_core_info()
    n_workers = info.num_cores * info.num_subcores
    rows_per_w = n_rows // n_workers
    chunk = 256
    n_chunks = rows_per_w // chunk
    mesh = plsc.VectorSubcoreMesh(core_axis_name="c", subcore_axis_name="s")

    @functools.partial(
        pl.kernel, mesh=mesh,
        out_type=jax.ShapeDtypeStruct((n_rows, E_DIM), jnp.float32),
        scratch_types=[
            pltpu.VMEM((chunk,), jnp.int32),
            pltpu.VMEM((chunk, E_DIM), jnp.float32),
            pltpu.SemaphoreType.DMA,
        ],
    )
    def gather(table_hbm, idx_hbm, out_hbm, idx_v, rows_v, sem):
        wid = lax.axis_index("s") * info.num_cores + lax.axis_index("c")
        base = wid * rows_per_w
        for c in range(n_chunks):
            off = base + c * chunk
            pltpu.sync_copy(idx_hbm.at[pl.ds(off, chunk)], idx_v)
            pltpu.async_copy(table_hbm.at[idx_v], rows_v, sem).wait()
            pltpu.sync_copy(rows_v, out_hbm.at[pl.ds(off, chunk)])

    return gather


@functools.partial(jax.jit, static_argnums=())
def kernel(z, fc0_w, fc0_b, fc1_w, fc1_b, emb):
    n_batch, n_seq, d_model = z.shape
    n_tok = n_batch * n_seq
    n_rows = n_tok * N_CHANNEL
    z2 = z.reshape(n_tok, d_model)
    n_blocks = n_tok // _TOK_BLK

    u = jnp.asarray(_uniform_table(n_rows, N_E))

    idx3, loss_sum = pl.pallas_call(
        _sample_kernel,
        grid=(n_blocks,),
        in_specs=[
            pl.BlockSpec((_ROW_BLK, N_E), lambda i: (i, 0)),
            pl.BlockSpec((_TOK_BLK, d_model), lambda i: (i, 0)),
            pl.BlockSpec((D_MODEL, D_MODEL), lambda i: (0, 0)),
            pl.BlockSpec((1, D_MODEL), lambda i: (0, 0)),
            pl.BlockSpec((N_E, E_DIM), lambda i: (0, 0)),
            pl.BlockSpec((N_E, E_DIM), lambda i: (0, 0)),
        ],
        out_specs=[
            pl.BlockSpec((1, 1, _ROW_BLK), lambda i: (i, 0, 0)),
            pl.BlockSpec((1, 1), lambda i: (0, 0)),
        ],
        out_shape=[
            jax.ShapeDtypeStruct((n_blocks, 1, _ROW_BLK), jnp.int32),
            jax.ShapeDtypeStruct((1, 1), jnp.float32),
        ],
        compiler_params=pltpu.CompilerParams(
            dimension_semantics=("arbitrary",),
        ),
    )(u, z2, fc0_w, fc0_b.reshape(1, -1), emb, jnp.float32(-2.0) * emb)

    n_chunks = 1
    blk_per_chunk = n_blocks // n_chunks
    tok_per_chunk = n_tok // n_chunks
    row_per_chunk = n_rows // n_chunks
    idx2 = idx3.reshape(n_chunks, row_per_chunk)

    gather = _sc_gather(row_per_chunk)
    zq_parts = []
    for h in range(n_chunks):
        czq = gather(emb, idx2[h])
        zq_h = pl.pallas_call(
            _fc1_kernel,
            grid=(blk_per_chunk,),
            in_specs=[
                pl.BlockSpec((_ROW_BLK, E_DIM), lambda i: (i, 0)),
                pl.BlockSpec((D_MODEL, D_MODEL), lambda i: (0, 0)),
                pl.BlockSpec((1, D_MODEL), lambda i: (0, 0)),
            ],
            out_specs=pl.BlockSpec((_TOK_BLK, d_model), lambda i: (i, 0)),
            out_shape=jax.ShapeDtypeStruct((tok_per_chunk, d_model),
                                           jnp.float32),
        )(czq, fc1_w, fc1_b.reshape(1, -1))
        zq_parts.append(zq_h)

    zq = jnp.concatenate(zq_parts, axis=0)
    mean = loss_sum[0, 0] / jnp.float32(n_rows * E_DIM)
    loss = mean + jnp.float32(BETA) * mean
    return (loss, zq.reshape(n_batch, n_seq, d_model))

# --- scband reference (transcript-rebuilt; emitter-appended) ---
"""Pipeline reference for scband-vector-quantizer-4647154614766 (READ-ONLY COPY).

The authoritative reference and input builder live on the scoring server;
editing this copy changes nothing except your own understanding.
"""

import jax, jax.numpy as jnp
import numpy as np

N_E = 1024
E_DIM = 256
N_CHANNEL = 4
D_MODEL = 1024
TEMPERATURE = 1.0
BETA = 0.25


def setup_inputs(seed: int = 0) -> dict:
    key = jax.random.key(seed)
    ks = jax.random.split(key, 5)
    z = jax.random.normal(ks[0], (4, 2048, D_MODEL), dtype=jnp.float32)
    fc0_w = jax.random.normal(ks[1], (E_DIM * N_CHANNEL, D_MODEL), dtype=jnp.float32) * (1.0 / np.sqrt(D_MODEL))
    fc0_b = jnp.zeros((E_DIM * N_CHANNEL,), dtype=jnp.float32)
    fc1_w = jax.random.normal(ks[2], (D_MODEL, E_DIM * N_CHANNEL), dtype=jnp.float32) * (1.0 / np.sqrt(E_DIM * N_CHANNEL))
    fc1_b = jnp.zeros((D_MODEL,), dtype=jnp.float32)
    emb = jax.random.uniform(ks[3], (N_E, E_DIM), dtype=jnp.float32, minval=-1.0 / N_E, maxval=1.0 / N_E)
    return {"z": z, "fc0_w": fc0_w, "fc0_b": fc0_b, "fc1_w": fc1_w, "fc1_b": fc1_b, "emb": emb}


def reference(z, fc0_w, fc0_b, fc1_w, fc1_b, emb):
    n_batch, n_seq, d_model = z.shape
    expand_z = jnp.matmul(z, fc0_w.T) + fc0_b
    channeled_z = expand_z.reshape(n_batch * n_seq * N_CHANNEL, E_DIM)
    logits_score = (
        jnp.sum(channeled_z ** 2, axis=1, keepdims=True)
        + jnp.sum(emb ** 2, axis=1)
        - 2.0 * jnp.matmul(channeled_z, emb.T)
    )
    logits_score = logits_score - jnp.max(logits_score, axis=1, keepdims=True)
    # torch.multinomial(softmax(logits/T)) == categorical over logits/T
    min_encoding_indices = jax.random.categorical(jax.random.key(42), logits_score / TEMPERATURE, axis=1)
    min_encodings = jax.nn.one_hot(min_encoding_indices, N_E, dtype=channeled_z.dtype)
    channeled_z_q = jnp.matmul(min_encodings, emb)
    loss = (
        jnp.mean((jax.lax.stop_gradient(channeled_z_q) - channeled_z) ** 2)
        + BETA * jnp.mean((channeled_z_q - jax.lax.stop_gradient(channeled_z)) ** 2)
    )
    channeled_z_q = channeled_z + jax.lax.stop_gradient(channeled_z_q - channeled_z)
    expand_z_q = channeled_z_q.reshape(n_batch, n_seq, N_CHANNEL * E_DIM)
    z_q = jnp.matmul(expand_z_q, fc1_w.T) + fc1_b
    return (loss, z_q)

if __name__ == "__main__":
    import jax
    _d = setup_inputs()
    print(jax.jit(kernel)(*tuple(_d.values())))

</pallas_src>

<mosaic_0001>
#map = affine_map<(d0, d1) -> (0, 0)>
#map1 = affine_map<(d0, d1) -> (0)>
module attributes {stable_mosaic.version = 14 : i64} {
  func.func @gather(%arg0: i32, %arg1: i32, %arg2: memref<1024x256xf32, #tpu.memory_space<hbm>>, %arg3: memref<32768xi32, #tpu.memory_space<hbm>>, %arg4: memref<32768x256xf32, #tpu.memory_space<hbm>>, %arg5: memref<256xi32, #tpu.memory_space<vmem>>, %arg6: memref<256x256xf32, #tpu.memory_space<vmem>>, %arg7: memref<!tpu.dma_semaphore, #tpu.memory_space<semaphore_mem>>) attributes {dimension_semantics = [#tpu.dimension_semantics<core_parallel>, #tpu.dimension_semantics<subcore_parallel>], iteration_bounds = array<i64: 2, 16>, scalar_prefetch = 0 : i64, scratch_operands = 3 : i64, tpu.core_type = #tpu.core_type<sc_vector_subcore>, window_params = [{transform_indices = #map}, {transform_indices = #map1}, {transform_indices = #map}]} {
    %mul3A = arith.constant 2 : i32
    %mul3A_0 = arith.muli %arg1, %mul3A : i32
    %add3A = arith.addi %mul3A_0, %arg0 : i32
    %mul3A_1 = arith.constant 1024 : i32
    %mul3A_2 = arith.muli %add3A, %mul3A_1 : i32
    %add3A_3 = arith.constant 0 : i32
    %add3A_4 = arith.addi %mul3A_2, %add3A_3 : i32
    "tpu.region"() ({
      %run_scoped3A = tpu.sem_alloc : memref<!tpu.dma_semaphore, #tpu.memory_space<semaphore_mem>>
      %dma_start3A_33 = tpu.memref_slice %arg3[%add3A_4] : memref<32768xi32, #tpu.memory_space<hbm>> -> memref<256xi32, #tpu.memory_space<hbm>>
      %dma_start3A_34 = tpu.memref_slice %arg3[%add3A_4] : memref<32768xi32, #tpu.memory_space<hbm>> -> memref<256xi32, #tpu.memory_space<hbm>>
      tpu.enqueue_dma source(%dma_start3A_34 : memref<256xi32, #tpu.memory_space<hbm>>) target(%arg5 : memref<256xi32, #tpu.memory_space<vmem>>) target_semaphore(%run_scoped3A : memref<!tpu.dma_semaphore, #tpu.memory_space<semaphore_mem>>)
      %dma_wait3A_35 = tpu.memref_slice %arg3[%add3A_4] : memref<32768xi32, #tpu.memory_space<hbm>> -> memref<256xi32, #tpu.memory_space<hbm>>
      %dma_wait3A_36 = tpu.memref_slice %arg3[%add3A_4] : memref<32768xi32, #tpu.memory_space<hbm>> -> memref<256xi32, #tpu.memory_space<hbm>>
      tpu.wait_dma2 semaphore(%run_scoped3A : memref<!tpu.dma_semaphore, #tpu.memory_space<semaphore_mem>>) src(%dma_wait3A_36 : memref<256xi32, #tpu.memory_space<hbm>>) dst(%arg5 : memref<256xi32, #tpu.memory_space<vmem>>)
      tpu.yield
    }) : () -> ()
    %dma_start3A = arith.constant 0 : i32
    %dma_start3A_5 = arith.constant 0 : i32
    %dma_start3A_6 = tpu.memref_slice %arg2[%dma_start3A, %dma_start3A_5] : memref<1024x256xf32, #tpu.memory_space<hbm>> -> memref<1024x256xf32, #tpu.memory_space<hbm>>
    tpu.enqueue_indirect_dma source(%dma_start3A_6 : memref<1024x256xf32, #tpu.memory_space<hbm>>) target(%arg6 : memref<256x256xf32, #tpu.memory_space<vmem>>) offsets(%arg5 : memref<256xi32, #tpu.memory_space<vmem>>) semaphore(%arg7 : memref<!tpu.dma_semaphore, #tpu.memory_space<semaphore_mem>>)
    %dma_wait3A = arith.constant 0 : i32
    %dma_wait3A_7 = arith.constant 0 : i32
    %dma_wait3A_8 = tpu.memref_slice %arg2[%dma_wait3A, %dma_wait3A_7] : memref<1024x256xf32, #tpu.memory_space<hbm>> -> memref<1024x256xf32, #tpu.memory_space<hbm>>
    tpu.wait_indirect_dma semaphore(%arg7 : memref<!tpu.dma_semaphore, #tpu.memory_space<semaphore_mem>>) src(%dma_wait3A_8 : memref<1024x256xf32, #tpu.memory_space<hbm>>) dst(%arg6 : memref<256x256xf32, #tpu.memory_space<vmem>>)
    "tpu.region"() ({
      %run_scoped3A = tpu.sem_alloc : memref<!tpu.dma_semaphore, #tpu.memory_space<semaphore_mem>>
      %dma_start3A_33 = arith.constant 0 : i32
      %dma_start3A_34 = tpu.memref_slice %arg4[%add3A_4, %dma_start3A_33] : memref<32768x256xf32, #tpu.memory_space<hbm>> -> memref<256x256xf32, #tpu.memory_space<hbm>>
      %dma_start3A_35 = arith.constant 0 : i32
      %dma_start3A_36 = tpu.memref_slice %arg4[%add3A_4, %dma_start3A_35] : memref<32768x256xf32, #tpu.memory_space<hbm>> -> memref<256x256xf32, #tpu.memory_space<hbm>>
      tpu.enqueue_dma source(%arg6 : memref<256x256xf32, #tpu.memory_space<vmem>>) target(%dma_start3A_36 : memref<256x256xf32, #tpu.memory_space<hbm>>) target_semaphore(%run_scoped3A : memref<!tpu.dma_semaphore, #tpu.memory_space<semaphore_mem>>)
      %dma_wait3A_37 = arith.constant 0 : i32
      %dma_wait3A_38 = tpu.memref_slice %arg4[%add3A_4, %dma_wait3A_37] : memref<32768x256xf32, #tpu.memory_space<hbm>> -> memref<256x256xf32, #tpu.memory_space<hbm>>
      %dma_wait3A_39 = arith.constant 0 : i32
      %dma_wait3A_40 = tpu.memref_slice %arg4[%add3A_4, %dma_wait3A_39] : memref<32768x256xf32, #tpu.memory_space<hbm>> -> memref<256x256xf32, #tpu.memory_space<hbm>>
      tpu.wait_dma2 semaphore(%run_scoped3A : memref<!tpu.dma_semaphore, #tpu.memory_space<semaphore_mem>>) src(%arg6 : memref<256x256xf32, #tpu.memory_space<vmem>>) dst(%dma_wait3A_40 : memref<256x256xf32, #tpu.memory_space<hbm>>)
      tpu.yield
    }) : () -> ()
    %add3A_9 = arith.constant 256 : i32
    %add3A_10 = arith.addi %mul3A_2, %add3A_9 : i32
    "tpu.region"() ({
      %run_scoped3A = tpu.sem_alloc : memref<!tpu.dma_semaphore, #tpu.memory_space<semaphore_mem>>
      %dma_start3A_33 = tpu.memref_slice %arg3[%add3A_10] : memref<32768xi32, #tpu.memory_space<hbm>> -> memref<256xi32, #tpu.memory_space<hbm>>
      %dma_start3A_34 = tpu.memref_slice %arg3[%add3A_10] : memref<32768xi32, #tpu.memory_space<hbm>> -> memref<256xi32, #tpu.memory_space<hbm>>
      tpu.enqueue_dma source(%dma_start3A_34 : memref<256xi32, #tpu.memory_space<hbm>>) target(%arg5 : memref<256xi32, #tpu.memory_space<vmem>>) target_semaphore(%run_scoped3A : memref<!tpu.dma_semaphore, #tpu.memory_space<semaphore_mem>>)
      %dma_wait3A_35 = tpu.memref_slice %arg3[%add3A_10] : memref<32768xi32, #tpu.memory_space<hbm>> -> memref<256xi32, #tpu.memory_space<hbm>>
      %dma_wait3A_36 = tpu.memref_slice %arg3[%add3A_10] : memref<32768xi32, #tpu.memory_space<hbm>> -> memref<256xi32, #tpu.memory_space<hbm>>
      tpu.wait_dma2 semaphore(%run_scoped3A : memref<!tpu.dma_semaphore, #tpu.memory_space<semaphore_mem>>) src(%dma_wait3A_36 : memref<256xi32, #tpu.memory_space<hbm>>) dst(%arg5 : memref<256xi32, #tpu.memory_space<vmem>>)
      tpu.yield
    }) : () -> ()
    %dma_start3A_11 = arith.constant 0 : i32
    %dma_start3A_12 = arith.constant 0 : i32
    %dma_start3A_13 = tpu.memref_slice %arg2[%dma_start3A_11, %dma_start3A_12] : memref<1024x256xf32, #tpu.memory_space<hbm>> -> memref<1024x256xf32, #tpu.memory_space<hbm>>
    tpu.enqueue_indirect_dma source(%dma_start3A_13 : memref<1024x256xf32, #tpu.memory_space<hbm>>) target(%arg6 : memref<256x256xf32, #tpu.memory_space<vmem>>) offsets(%arg5 : memref<256xi32, #tpu.memory_space<vmem>>) semaphore(%arg7 : memref<!tpu.dma_semaphore, #tpu.memory_space<semaphore_mem>>)
    %dma_wait3A_14 = arith.constant 0 : i32
    %dma_wait3A_15 = arith.constant 0 : i32
    %dma_wait3A_16 = tpu.memref_slice %arg2[%dma_wait3A_14, %dma_wait3A_15] : memref<1024x256xf32, #tpu.memory_space<hbm>> -> memref<1024x256xf32, #tpu.memory_space<hbm>>
    tpu.wait_indirect_dma semaphore(%arg7 : memref<!tpu.dma_semaphore, #tpu.memory_space<semaphore_mem>>) src(%dma_wait3A_16 : memref<1024x256xf32, #tpu.memory_space<hbm>>) dst(%arg6 : memref<256x256xf32, #tpu.memory_space<vmem>>)
    "tpu.region"() ({
      %run_scoped3A = tpu.sem_alloc : memref<!tpu.dma_semaphore, #tpu.memory_space<semaphore_mem>>
      %dma_start3A_33 = arith.constant 0 : i32
      %dma_start3A_34 = tpu.memref_slice %arg4[%add3A_10, %dma_start3A_33] : memref<32768x256xf32, #tpu.memory_space<hbm>> -> memref<256x256xf32, #tpu.memory_space<hbm>>
      %dma_start3A_35 = arith.constant 0 : i32
      %dma_start3A_36 = tpu.memref_slice %arg4[%add3A_10, %dma_start3A_35] : memref<32768x256xf32, #tpu.memory_space<hbm>> -> memref<256x256xf32, #tpu.memory_space<hbm>>
      tpu.enqueue_dma source(%arg6 : memref<256x256xf32, #tpu.memory_space<vmem>>) target(%dma_start3A_36 : memref<256x256xf32, #tpu.memory_space<hbm>>) target_semaphore(%run_scoped3A : memref<!tpu.dma_semaphore, #tpu.memory_space<semaphore_mem>>)
      %dma_wait3A_37 = arith.constant 0 : i32
      %dma_wait3A_38 = tpu.memref_slice %arg4[%add3A_10, %dma_wait3A_37] : memref<32768x256xf32, #tpu.memory_space<hbm>> -> memref<256x256xf32, #tpu.memory_space<hbm>>
      %dma_wait3A_39 = arith.constant 0 : i32
      %dma_wait3A_40 = tpu.memref_slice %arg4[%add3A_10, %dma_wait3A_39] : memref<32768x256xf32, #tpu.memory_space<hbm>> -> memref<256x256xf32, #tpu.memory_space<hbm>>
      tpu.wait_dma2 semaphore(%run_scoped3A : memref<!tpu.dma_semaphore, #tpu.memory_space<semaphore_mem>>) src(%arg6 : memref<256x256xf32, #tpu.memory_space<vmem>>) dst(%dma_wait3A_40 : memref<256x256xf32, #tpu.memory_space<hbm>>)
      tpu.yield
    }) : () -> ()
    %add3A_17 = arith.constant 512 : i32
    %add3A_18 = arith.addi %mul3A_2, %add3A_17 : i32
    "tpu.region"() ({
      %run_scoped3A = tpu.sem_alloc : memref<!tpu.dma_semaphore, #tpu.memory_space<semaphore_mem>>
      %dma_start3A_33 = tpu.memref_slice %arg3[%add3A_18] : memref<32768xi32, #tpu.memory_space<hbm>> -> memref<256xi32, #tpu.memory_space<hbm>>
      %dma_start3A_34 = tpu.memref_slice %arg3[%add3A_18] : memref<32768xi32, #tpu.memory_space<hbm>> -> memref<256xi32, #tpu.memory_space<hbm>>
      tpu.enqueue_dma source(%dma_start3A_34 : memref<256xi32, #tpu.memory_space<hbm>>) target(%arg5 : memref<256xi32, #tpu.memory_space<vmem>>) target_semaphore(%run_scoped3A : memref<!tpu.dma_semaphore, #tpu.memory_space<semaphore_mem>>)
      %dma_wait3A_35 = tpu.memref_slice %arg3[%add3A_18] : memref<32768xi32, #tpu.memory_space<hbm>> -> memref<256xi32, #tpu.memory_space<hbm>>
      %dma_wait3A_36 = tpu.memref_slice %arg3[%add3A_18] : memref<32768xi32, #tpu.memory_space<hbm>> -> memref<256xi32, #tpu.memory_space<hbm>>
      tpu.wait_dma2 semaphore(%run_scoped3A : memref<!tpu.dma_semaphore, #tpu.memory_space<semaphore_mem>>) src(%dma_wait3A_36 : memref<256xi32, #tpu.memory_space<hbm>>) dst(%arg5 : memref<256xi32, #tpu.memory_space<vmem>>)
      tpu.yield
    }) : () -> ()
    %dma_start3A_19 = arith.constant 0 : i32
    %dma_start3A_20 = arith.constant 0 : i32
    %dma_start3A_21 = tpu.memref_slice %arg2[%dma_start3A_19, %dma_start3A_20] : memref<1024x256xf32, #tpu.memory_space<hbm>> -> memref<1024x256xf32, #tpu.memory_space<hbm>>
    tpu.enqueue_indirect_dma source(%dma_start3A_21 : memref<1024x256xf32, #tpu.memory_space<hbm>>) target(%arg6 : memref<256x256xf32, #tpu.memory_space<vmem>>) offsets(%arg5 : memref<256xi32, #tpu.memory_space<vmem>>) semaphore(%arg7 : memref<!tpu.dma_semaphore, #tpu.memory_space<semaphore_mem>>)
    %dma_wait3A_22 = arith.constant 0 : i32
    %dma_wait3A_23 = arith.constant 0 : i32
    %dma_wait3A_24 = tpu.memref_slice %arg2[%dma_wait3A_22, %dma_wait3A_23] : memref<1024x256xf32, #tpu.memory_space<hbm>> -> memref<1024x256xf32, #tpu.memory_space<hbm>>
    tpu.wait_indirect_dma semaphore(%arg7 : memref<!tpu.dma_semaphore, #tpu.memory_space<semaphore_mem>>) src(%dma_wait3A_24 : memref<1024x256xf32, #tpu.memory_space<hbm>>) dst(%arg6 : memref<256x256xf32, #tpu.memory_space<vmem>>)
    "tpu.region"() ({
      %run_scoped3A = tpu.sem_alloc : memref<!tpu.dma_semaphore, #tpu.memory_space<semaphore_mem>>
      %dma_start3A_33 = arith.constant 0 : i32
      %dma_start3A_34 = tpu.memref_slice %arg4[%add3A_18, %dma_start3A_33] : memref<32768x256xf32, #tpu.memory_space<hbm>> -> memref<256x256xf32, #tpu.memory_space<hbm>>
      %dma_start3A_35 = arith.constant 0 : i32
      %dma_start3A_36 = tpu.memref_slice %arg4[%add3A_18, %dma_start3A_35] : memref<32768x256xf32, #tpu.memory_space<hbm>> -> memref<256x256xf32, #tpu.memory_space<hbm>>
      tpu.enqueue_dma source(%arg6 : memref<256x256xf32, #tpu.memory_space<vmem>>) target(%dma_start3A_36 : memref<256x256xf32, #tpu.memory_space<hbm>>) target_semaphore(%run_scoped3A : memref<!tpu.dma_semaphore, #tpu.memory_space<semaphore_mem>>)
      %dma_wait3A_37 = arith.constant 0 : i32
      %dma_wait3A_38 = tpu.memref_slice %arg4[%add3A_18, %dma_wait3A_37] : memref<32768x256xf32, #tpu.memory_space<hbm>> -> memref<256x256xf32, #tpu.memory_space<hbm>>
      %dma_wait3A_39 = arith.constant 0 : i32
      %dma_wait3A_40 = tpu.memref_slice %arg4[%add3A_18, %dma_wait3A_39] : memref<32768x256xf32, #tpu.memory_space<hbm>> -> memref<256x256xf32, #tpu.memory_space<hbm>>
      tpu.wait_dma2 semaphore(%run_scoped3A : memref<!tpu.dma_semaphore, #tpu.memory_space<semaphore_mem>>) src(%arg6 : memref<256x256xf32, #tpu.memory_space<vmem>>) dst(%dma_wait3A_40 : memref<256x256xf32, #tpu.memory_space<hbm>>)
      tpu.yield
    }) : () -> ()
    %add3A_25 = arith.constant 768 : i32
    %add3A_26 = arith.addi %mul3A_2, %add3A_25 : i32
    "tpu.region"() ({
      %run_scoped3A = tpu.sem_alloc : memref<!tpu.dma_semaphore, #tpu.memory_space<semaphore_mem>>
      %dma_start3A_33 = tpu.memref_slice %arg3[%add3A_26] : memref<32768xi32, #tpu.memory_space<hbm>> -> memref<256xi32, #tpu.memory_space<hbm>>
      %dma_start3A_34 = tpu.memref_slice %arg3[%add3A_26] : memref<32768xi32, #tpu.memory_space<hbm>> -> memref<256xi32, #tpu.memory_space<hbm>>
      tpu.enqueue_dma source(%dma_start3A_34 : memref<256xi32, #tpu.memory_space<hbm>>) target(%arg5 : memref<256xi32, #tpu.memory_space<vmem>>) target_semaphore(%run_scoped3A : memref<!tpu.dma_semaphore, #tpu.memory_space<semaphore_mem>>)
      %dma_wait3A_35 = tpu.memref_slice %arg3[%add3A_26] : memref<32768xi32, #tpu.memory_space<hbm>> -> memref<256xi32, #tpu.memory_space<hbm>>
      %dma_wait3A_36 = tpu.memref_slice %arg3[%add3A_26] : memref<32768xi32, #tpu.memory_space<hbm>> -> memref<256xi32, #tpu.memory_space<hbm>>
      tpu.wait_dma2 semaphore(%run_scoped3A : memref<!tpu.dma_semaphore, #tpu.memory_space<semaphore_mem>>) src(%dma_wait3A_36 : memref<256xi32, #tpu.memory_space<hbm>>) dst(%arg5 : memref<256xi32, #tpu.memory_space<vmem>>)
      tpu.yield
    }) : () -> ()
    %dma_start3A_27 = arith.constant 0 : i32
    %dma_start3A_28 = arith.constant 0 : i32
    %dma_start3A_29 = tpu.memref_slice %arg2[%dma_start3A_27, %dma_start3A_28] : memref<1024x256xf32, #tpu.memory_space<hbm>> -> memref<1024x256xf32, #tpu.memory_space<hbm>>
    tpu.enqueue_indirect_dma source(%dma_start3A_29 : memref<1024x256xf32, #tpu.memory_space<hbm>>) target(%arg6 : memref<256x256xf32, #tpu.memory_space<vmem>>) offsets(%arg5 : memref<256xi32, #tpu.memory_space<vmem>>) semaphore(%arg7 : memref<!tpu.dma_semaphore, #tpu.memory_space<semaphore_mem>>)
    %dma_wait3A_30 = arith.constant 0 : i32
    %dma_wait3A_31 = arith.constant 0 : i32
    %dma_wait3A_32 = tpu.memref_slice %arg2[%dma_wait3A_30, %dma_wait3A_31] : memref<1024x256xf32, #tpu.memory_space<hbm>> -> memref<1024x256xf32, #tpu.memory_space<hbm>>
    tpu.wait_indirect_dma semaphore(%arg7 : memref<!tpu.dma_semaphore, #tpu.memory_space<semaphore_mem>>) src(%dma_wait3A_32 : memref<1024x256xf32, #tpu.memory_space<hbm>>) dst(%arg6 : memref<256x256xf32, #tpu.memory_space<vmem>>)
    "tpu.region"() ({
      %run_scoped3A = tpu.sem_alloc : memref<!tpu.dma_semaphore, #tpu.memory_space<semaphore_mem>>
      %dma_start3A_33 = arith.constant 0 : i32
      %dma_start3A_34 = tpu.memref_slice %arg4[%add3A_26, %dma_start3A_33] : memref<32768x256xf32, #tpu.memory_space<hbm>> -> memref<256x256xf32, #tpu.memory_space<hbm>>
      %dma_start3A_35 = arith.constant 0 : i32
      %dma_start3A_36 = tpu.memref_slice %arg4[%add3A_26, %dma_start3A_35] : memref<32768x256xf32, #tpu.memory_space<hbm>> -> memref<256x256xf32, #tpu.memory_space<hbm>>
      tpu.enqueue_dma source(%arg6 : memref<256x256xf32, #tpu.memory_space<vmem>>) target(%dma_start3A_36 : memref<256x256xf32, #tpu.memory_space<hbm>>) target_semaphore(%run_scoped3A : memref<!tpu.dma_semaphore, #tpu.memory_space<semaphore_mem>>)
      %dma_wait3A_37 = arith.constant 0 : i32
      %dma_wait3A_38 = tpu.memref_slice %arg4[%add3A_26, %dma_wait3A_37] : memref<32768x256xf32, #tpu.memory_space<hbm>> -> memref<256x256xf32, #tpu.memory_space<hbm>>
      %dma_wait3A_39 = arith.constant 0 : i32
      %dma_wait3A_40 = tpu.memref_slice %arg4[%add3A_26, %dma_wait3A_39] : memref<32768x256xf32, #tpu.memory_space<hbm>> -> memref<256x256xf32, #tpu.memory_space<hbm>>
      tpu.wait_dma2 semaphore(%run_scoped3A : memref<!tpu.dma_semaphore, #tpu.memory_space<semaphore_mem>>) src(%arg6 : memref<256x256xf32, #tpu.memory_space<vmem>>) dst(%dma_wait3A_40 : memref<256x256xf32, #tpu.memory_space<hbm>>)
      tpu.yield
    }) : () -> ()
    return
  }
}

module attributes {stable_mosaic.version = 14 : i64} {
  func.func @_fc1_kernel(%arg0: i32, %arg1: memref<2048x256xf32, #tpu.memory_space<vmem>>, %arg2: memref<1024x1024xf32, #tpu.memory_space<vmem>>, %arg3: memref<1x1024xf32, #tpu.memory_space<vmem>>, %arg4: memref<512x1024xf32, #tpu.memory_space<vmem>>) attributes {dimension_semantics = [#tpu.dimension_semantics<arbitrary>], iteration_bounds = array<i64: 16>, scalar_prefetch = 0 : i64, scratch_operands = 0 : i64, tpu.core_type = #tpu.core_type<tc>, window_params = [{transform_indices = @transform_0, window_bounds = array<i64: 2048, 256>}, {pipeline_mode = #tpu.pipeline_mode<synchronous>, transform_indices = @transform_1, window_bounds = array<i64: 1024, 1024>}, {pipeline_mode = #tpu.pipeline_mode<synchronous>, transform_indices = @transform_2, window_bounds = array<i64: 1, 1024>}, {transform_indices = @transform_3, window_bounds = array<i64: 512, 1024>}]} {
    %get3A = arith.constant 0 : index
    %get3A_0 = arith.constant 0 : index
    %get3A_1 = vector.load %arg1[%get3A, %get3A_0] : memref<2048x256xf32, #tpu.memory_space<vmem>>, vector<2048x256xf32>
    %reshape3A = vector.shape_cast %get3A_1 : vector<2048x256xf32> to vector<512x1024xf32>
    %get3A_2 = arith.constant 0 : index
    %get3A_3 = arith.constant 0 : index
    %get3A_4 = vector.load %arg2[%get3A_2, %get3A_3] : memref<1024x1024xf32, #tpu.memory_space<vmem>>, vector<1024x1024xf32>
    %dot_general3A = arith.constant dense<0.000000e+00> : vector<512x1024xf32>
    %dot_general3A_5 = tpu.matmul %reshape3A, %get3A_4, %dot_general3A {dimension_numbers = #tpu.dot_dimension_numbers<[1], [1], [0], [0], [0, 0, 1, 0], [], []>, transpose_lhs_hint = false} : vector<512x1024xf32>, vector<1024x1024xf32>, vector<512x1024xf32> -> vector<512x1024xf32>
    %get3A_6 = arith.constant 0 : index
    %get3A_7 = arith.constant 0 : index
    %get3A_8 = vector.load %arg3[%get3A_6, %get3A_7] : memref<1x1024xf32, #tpu.memory_space<vmem>>, vector<1x1024xf32>
    %add3A = vector.broadcast %get3A_8 : vector<1x1024xf32> to vector<512x1024xf32>
    %add3A_9 = arith.addf %dot_general3A_5, %add3A : vector<512x1024xf32>
    %swap3A = arith.constant 0 : index
    %swap3A_10 = arith.constant 0 : index
    %swap3A_11 = vector.load %arg4[%swap3A, %swap3A_10] : memref<512x1024xf32, #tpu.memory_space<vmem>>, vector<512x1024xf32>
    tpu.vector_store %arg4[%swap3A, %swap3A_10], %add3A_9 {strides = array<i32>} : memref<512x1024xf32, #tpu.memory_space<vmem>>, vector<512x1024xf32>,
    return
  }
  func.func @transform_0(%arg0: i32) -> (i32, i32) {
    %c0_i32 = arith.constant 0 : i32
    %c0_i32_0 = arith.constant 0 : i32
    return %arg0, %c0_i32 : i32, i32
  }
  func.func @transform_1(%arg0: i32) -> (i32, i32) {
    %c0_i32 = arith.constant 0 : i32
    %c0_i32_0 = arith.constant 0 : i32
    %c0_i32_1 = arith.constant 0 : i32
    return %c0_i32, %c0_i32_0 : i32, i32
  }
  func.func @transform_2(%arg0: i32) -> (i32, i32) {
    %c0_i32 = arith.constant 0 : i32
    %c0_i32_0 = arith.constant 0 : i32
    %c0_i32_1 = arith.constant 0 : i32
    return %c0_i32, %c0_i32_0 : i32, i32
  }
  func.func @transform_3(%arg0: i32) -> (i32, i32) {
    %c0_i32 = arith.constant 0 : i32
    %c0_i32_0 = arith.constant 0 : i32
    return %arg0, %c0_i32 : i32, i32
  }
}

module attributes {stable_mosaic.version = 14 : i64} {
  func.func @_sample_kernel(%arg0: i32, %arg1: memref<2048x1024xf32, #tpu.memory_space<vmem>>, %arg2: memref<512x1024xf32, #tpu.memory_space<vmem>>, %arg3: memref<1024x1024xf32, #tpu.memory_space<vmem>>, %arg4: memref<1x1024xf32, #tpu.memory_space<vmem>>, %arg5: memref<1024x256xf32, #tpu.memory_space<vmem>>, %arg6: memref<1024x256xf32, #tpu.memory_space<vmem>>, %arg7: memref<1x1x2048xi32, #tpu.memory_space<vmem>>, %arg8: memref<1x1xf32, #tpu.memory_space<vmem>>) attributes {dimension_semantics = [#tpu.dimension_semantics<arbitrary>], iteration_bounds = array<i64: 16>, scalar_prefetch = 0 : i64, scratch_operands = 0 : i64, tpu.core_type = #tpu.core_type<tc>, window_params = [{transform_indices = @transform_0, window_bounds = array<i64: 2048, 1024>}, {transform_indices = @transform_1, window_bounds = array<i64: 512, 1024>}, {pipeline_mode = #tpu.pipeline_mode<synchronous>, transform_indices = @transform_2, window_bounds = array<i64: 1024, 1024>}, {pipeline_mode = #tpu.pipeline_mode<synchronous>, transform_indices = @transform_3, window_bounds = array<i64: 1, 1024>}, {pipeline_mode = #tpu.pipeline_mode<synchronous>, transform_indices = @transform_4, window_bounds = array<i64: 1024, 256>}, {pipeline_mode = #tpu.pipeline_mode<synchronous>, transform_indices = @transform_5, window_bounds = array<i64: 1024, 256>}, {transform_indices = @transform_6, window_bounds = array<i64: 1, 1, 2048>}, {pipeline_mode = #tpu.pipeline_mode<synchronous>, transform_indices = @transform_7, window_bounds = array<i64: 1, 1>}]} {
    %get3A = arith.constant 0 : index
    %get3A_0 = arith.constant 0 : index
    %get3A_1 = vector.load %arg5[%get3A, %get3A_0] : memref<1024x256xf32, #tpu.memory_space<vmem>>, vector<1024x256xf32>
    %get3A_2 = arith.constant 0 : index
    %get3A_3 = arith.constant 0 : index
    %get3A_4 = vector.load %arg2[%get3A_2, %get3A_3] : memref<512x1024xf32, #tpu.memory_space<vmem>>, vector<512x1024xf32>
    %get3A_5 = arith.constant 0 : index
    %get3A_6 = arith.constant 0 : index
    %get3A_7 = vector.load %arg3[%get3A_5, %get3A_6] : memref<1024x1024xf32, #tpu.memory_space<vmem>>, vector<1024x1024xf32>
    %dot_general3A = arith.constant dense<0.000000e+00> : vector<512x1024xf32>
    %dot_general3A_8 = tpu.matmul %get3A_4, %get3A_7, %dot_general3A {dimension_numbers = #tpu.dot_dimension_numbers<[1], [1], [0], [0], [0, 0, 1, 0], [], []>, transpose_lhs_hint = false} : vector<512x1024xf32>, vector<1024x1024xf32>, vector<512x1024xf32> -> vector<512x1024xf32>
    %get3A_9 = arith.constant 0 : index
    %get3A_10 = arith.constant 0 : index
    %get3A_11 = vector.load %arg4[%get3A_9, %get3A_10] : memref<1x1024xf32, #tpu.memory_space<vmem>>, vector<1x1024xf32>
    %add3A = vector.broadcast %get3A_11 : vector<1x1024xf32> to vector<512x1024xf32>
    %add3A_12 = arith.addf %dot_general3A_8, %add3A : vector<512x1024xf32>
    %reshape3A = vector.shape_cast %add3A_12 : vector<512x1024xf32> to vector<2048x256xf32>
    %mul3A = arith.mulf %reshape3A, %reshape3A : vector<2048x256xf32>
    %reduce_sum3A = arith.constant dense<0.000000e+00> : vector<2048xf32>
    %reduce_sum3A_13 = vector.multi_reduction <add>, %mul3A, %reduce_sum3A [1] : vector<2048x256xf32> to vector<2048xf32>
    %broadcast_in_dim3A = vector.shape_cast %reduce_sum3A_13 : vector<2048xf32> to vector<2048x1xf32>
    %mul3A_14 = arith.mulf %get3A_1, %get3A_1 : vector<1024x256xf32>
    %reduce_sum3A_15 = arith.constant dense<0.000000e+00> : vector<1024xf32>
    %reduce_sum3A_16 = vector.multi_reduction <add>, %mul3A_14, %reduce_sum3A_15 [1] : vector<1024x256xf32> to vector<1024xf32>
    %broadcast_in_dim3A_17 = vector.shape_cast %reduce_sum3A_16 : vector<1024xf32> to vector<1x1024xf32>
    %get3A_18 = arith.constant 0 : index
    %get3A_19 = arith.constant 0 : index
    %get3A_20 = vector.load %arg6[%get3A_18, %get3A_19] : memref<1024x256xf32, #tpu.memory_space<vmem>>, vector<1024x256xf32>
    %dot_general3A_21 = arith.constant dense<0.000000e+00> : vector<2048x1024xf32>
    %dot_general3A_22 = tpu.matmul %reshape3A, %get3A_20, %dot_general3A_21 {dimension_numbers = #tpu.dot_dimension_numbers<[1], [1], [0], [0], [0, 0, 1, 0], [], []>, transpose_lhs_hint = false} : vector<2048x256xf32>, vector<1024x256xf32>, vector<2048x1024xf32> -> vector<2048x1024xf32>
    %add3A_23 = vector.broadcast %broadcast_in_dim3A : vector<2048x1xf32> to vector<2048x1024xf32>
    %add3A_24 = vector.broadcast %broadcast_in_dim3A_17 : vector<1x1024xf32> to vector<2048x1024xf32>
    %add3A_25 = arith.addf %add3A_23, %add3A_24 : vector<2048x1024xf32>
    %add3A_26 = arith.addf %add3A_25, %dot_general3A_22 : vector<2048x1024xf32>
    %reduce_max3A = arith.constant dense<0xFF800000> : vector<2048xf32>
    %reduce_max3A_27 = vector.multi_reduction <maximumf>, %add3A_26, %reduce_max3A [1] : vector<2048x1024xf32> to vector<2048xf32>
    %broadcast_in_dim3A_28 = vector.shape_cast %reduce_max3A_27 : vector<2048xf32> to vector<2048x1xf32>
    %sub3A = vector.broadcast %broadcast_in_dim3A_28 : vector<2048x1xf32> to vector<2048x1024xf32>
    %sub3A_29 = arith.subf %add3A_26, %sub3A : vector<2048x1024xf32>
    %get3A_30 = arith.constant 0 : index
    %get3A_31 = arith.constant 0 : index
    %get3A_32 = vector.load %arg1[%get3A_30, %get3A_31] : memref<2048x1024xf32, #tpu.memory_space<vmem>>, vector<2048x1024xf32>
    %max3A = arith.constant 1.17549435E-38 : f32
    %max3A_33 = vector.broadcast %max3A : f32 to vector<2048x1024xf32>
    %max3A_34 = arith.maximumf %get3A_32, %max3A_33 : vector<2048x1024xf32>
    %log3A = math.log %max3A_34 : vector<2048x1024xf32>
    %neg3A = arith.constant 0.000000e+00 : f32
    %neg3A_35 = vector.broadcast %neg3A : f32 to vector<2048x1024xf32>
    %neg3A_36 = arith.subf %neg3A_35, %log3A : vector<2048x1024xf32>
    %log3A_37 = math.log %neg3A_36 : vector<2048x1024xf32>
    %neg3A_38 = arith.constant 0.000000e+00 : f32
    %neg3A_39 = vector.broadcast %neg3A_38 : f32 to vector<2048x1024xf32>
    %neg3A_40 = arith.subf %neg3A_39, %log3A_37 : vector<2048x1024xf32>
    %add3A_41 = arith.addf %neg3A_40, %sub3A_29 : vector<2048x1024xf32>
    %reduce_max3A_42 = arith.constant dense<0xFF800000> : vector<2048xf32>
    %reduce_max3A_43 = vector.multi_reduction <maximumf>, %add3A_41, %reduce_max3A_42 [1] : vector<2048x1024xf32> to vector<2048xf32>
    %broadcast_in_dim3A_44 = vector.shape_cast %reduce_max3A_43 : vector<2048xf32> to vector<2048x1xf32>
    %iota3A = tpu.iota {dimensions = array<i32: 1>} : vector<2048x1024xi32>
    %eq3A = vector.broadcast %broadcast_in_dim3A_44 : vector<2048x1xf32> to vector<2048x1024xf32>
    %eq3A_45 = arith.cmpf oeq, %add3A_41, %eq3A : vector<2048x1024xf32>
    %jit3A = arith.constant 1024 : i32
    %broadcast_in_dim3A_46 = vector.broadcast %jit3A : i32 to vector<2048x1024xi32>
    %select_n3A = arith.select %eq3A_45, %iota3A, %broadcast_in_dim3A_46 : vector<2048x1024xi1>, vector<2048x1024xi32>
    %reduce_min3A = arith.constant dense<2147483647> : vector<2048xi32>
    %reduce_min3A_47 = vector.multi_reduction <minsi>, %select_n3A, %reduce_min3A [1] : vector<2048x1024xi32> to vector<2048xi32>
    %broadcast_in_dim3A_48 = vector.shape_cast %reduce_min3A_47 : vector<2048xi32> to vector<2048x1xi32>
    %eq3A_49 = vector.broadcast %broadcast_in_dim3A_48 : vector<2048x1xi32> to vector<2048x1024xi32>
    %eq3A_50 = arith.cmpi eq, %iota3A, %eq3A_49 : vector<2048x1024xi32>
    %reshape3A_51 = vector.shape_cast %reduce_min3A_47 : vector<2048xi32> to vector<1x1x2048xi32>
    %swap3A = arith.constant 0 : index
    %swap3A_52 = arith.constant 0 : index
    %swap3A_53 = arith.constant 0 : index
    %swap3A_54 = vector.load %arg7[%swap3A, %swap3A_52, %swap3A_53] : memref<1x1x2048xi32, #tpu.memory_space<vmem>>, vector<1x1x2048xi32>
    tpu.vector_store %arg7[%swap3A, %swap3A_52, %swap3A_53], %reshape3A_51 {strides = array<i32>} : memref<1x1x2048xi32, #tpu.memory_space<vmem>>, vector<1x1x2048xi32>,
    %jit3A_55 = arith.constant 0.000000e+00 : f32
    %broadcast_in_dim3A_56 = vector.broadcast %jit3A_55 : f32 to vector<2048x1024xf32>
    %select_n3A_57 = arith.select %eq3A_50, %add3A_26, %broadcast_in_dim3A_56 : vector<2048x1024xi1>, vector<2048x1024xf32>
    %reduce_sum3A_58 = vector.shape_cast %select_n3A_57 : vector<2048x1024xf32> to vector<1x2048x1024xf32>
    %reduce_sum3A_59 = arith.constant dense<0.000000e+00> : vector<1xf32>
    %reduce_sum3A_60 = vector.multi_reduction <add>, %reduce_sum3A_58, %reduce_sum3A_59 [1, 2] : vector<1x2048x1024xf32> to vector<1xf32>
    %reduce_sum3A_61 = vector.shape_cast %reduce_sum3A_60 : vector<1xf32> to vector<1x1x1xf32>
    %reduce_sum3A_62 = vector.extract %reduce_sum3A_61[0, 0, 0] : f32 from vector<1x1x1xf32>
    %eq3A_63 = arith.constant 0 : i32
    %eq3A_64 = arith.cmpi eq, %arg0, %eq3A_63 : i32
    %convert_element_type3A = arith.extui %eq3A_64 : i1 to i32
    %cond3A = arith.constant 0 : i32
    %cond3A_65 = arith.cmpi ne, %convert_element_type3A, %cond3A : i32
    scf.if %cond3A_65 {
      %broadcast_in_dim3A_74 = arith.constant 0.000000e+00 : f32
      %broadcast_in_dim3A_75 = vector.broadcast %broadcast_in_dim3A_74 : f32 to vector<1x1xf32>
      %swap3A_76 = arith.constant 0 : index
      %swap3A_77 = arith.constant 0 : index
      %swap3A_78 = vector.load %arg8[%swap3A_76, %swap3A_77] : memref<1x1xf32, #tpu.memory_space<vmem>>, vector<1x1xf32>
      tpu.vector_store %arg8[%swap3A_76, %swap3A_77], %broadcast_in_dim3A_75 {strides = array<i32>} : memref<1x1xf32, #tpu.memory_space<vmem>>, vector<1x1xf32>,
    } else {
    }
    %get3A_66 = arith.constant 0 : index
    %get3A_67 = arith.constant 0 : index
    %get3A_68 = vector.load %arg8[%get3A_66, %get3A_67] : memref<1x1xf32, #tpu.memory_space<vmem>>, vector<1x1xf32>
    %reshape3A_69 = vector.broadcast %reduce_sum3A_62 : f32 to vector<1x1xf32>
    %add3A_70 = arith.addf %get3A_68, %reshape3A_69 : vector<1x1xf32>
    %swap3A_71 = arith.constant 0 : index
    %swap3A_72 = arith.constant 0 : index
    %swap3A_73 = vector.load %arg8[%swap3A_71, %swap3A_72] : memref<1x1xf32, #tpu.memory_space<vmem>>, vector<1x1xf32>
    tpu.vector_store %arg8[%swap3A_71, %swap3A_72], %add3A_70 {strides = array<i32>} : memref<1x1xf32, #tpu.memory_space<vmem>>, vector<1x1xf32>,
    return
  }
  func.func @transform_0(%arg0: i32) -> (i32, i32) {
    %c0_i32 = arith.constant 0 : i32
    %c0_i32_0 = arith.constant 0 : i32
    return %arg0, %c0_i32 : i32, i32
  }
  func.func @transform_1(%arg0: i32) -> (i32, i32) {
    %c0_i32 = arith.constant 0 : i32
    %c0_i32_0 = arith.constant 0 : i32
    return %arg0, %c0_i32 : i32, i32
  }
  func.func @transform_2(%arg0: i32) -> (i32, i32) {
    %c0_i32 = arith.constant 0 : i32
    %c0_i32_0 = arith.constant 0 : i32
    %c0_i32_1 = arith.constant 0 : i32
    return %c0_i32, %c0_i32_0 : i32, i32
  }
  func.func @transform_3(%arg0: i32) -> (i32, i32) {
    %c0_i32 = arith.constant 0 : i32
    %c0_i32_0 = arith.constant 0 : i32
    %c0_i32_1 = arith.constant 0 : i32
    return %c0_i32, %c0_i32_0 : i32, i32
  }
  func.func @transform_4(%arg0: i32) -> (i32, i32) {
    %c0_i32 = arith.constant 0 : i32
    %c0_i32_0 = arith.constant 0 : i32
    %c0_i32_1 = arith.constant 0 : i32
    return %c0_i32, %c0_i32_0 : i32, i32
  }
  func.func @transform_5(%arg0: i32) -> (i32, i32) {
    %c0_i32 = arith.constant 0 : i32
    %c0_i32_0 = arith.constant 0 : i32
    %c0_i32_1 = arith.constant 0 : i32
    return %c0_i32, %c0_i32_0 : i32, i32
  }
  func.func @transform_6(%arg0: i32) -> (i32, i32, i32) {
    %c0_i32 = arith.constant 0 : i32
    %c0_i32_0 = arith.constant 0 : i32
    %c0_i32_1 = arith.constant 0 : i32
    return %arg0, %c0_i32, %c0_i32_0 : i32, i32, i32
  }
  func.func @transform_7(%arg0: i32) -> (i32, i32) {
    %c0_i32 = arith.constant 0 : i32
    %c0_i32_0 = arith.constant 0 : i32
    %c0_i32_1 = arith.constant 0 : i32
    return %c0_i32, %c0_i32_0 : i32, i32
  }
}

</mosaic_0001>

<sc_bundles>
// kernel: kernel.5.cloned.1.call-start
scs
__scs_entry_jumppad:
0x0: {  	(pc) =	sbr.rel $0x88, $3  }
0x1: {  	(tag) =	ssettag $0x0;
	lr =	simm.s32 $0x1  }
0x2: {  	[smem:$0x3F9B] =	sst lr;
	_ =	strace $0xD0000000  }
0x3: {  	_ = 	snop  }
0x4: {  	_ = 	snop  }
0x5: {  	_ = 	snop  }
0x6: {  	_ = 	snop  }
0x7: {  	_ = 	snop  }
__scs_overlays_trampoline_lowered:
0x8: {  	[smem:$0x3FAA] =	sst s0  }
0x9: {  	[smem:$0x3FAB] =	sst s1  }
0xa: {  	[smem:$0x3FAC] =	sst s2  }
0xb: {  	[smem:$0x3FAD] =	sst s3  }
0xc: {  	[smem:$0x3FAE] =	sst s4  }
0xd: {  	[smem:$0x3FAF] =	sst s5  }
0xe: {  	[smem:$0x3FB0] =	sst s6  }
0xf: {  	[smem:$0x3FB1] =	sst s7  }
0x10: {  	[smem:$0x3FB2] =	sst s8  }
0x11: {  	[smem:$0x3FB3] =	sst s9;
	s0 =	simm.s32 @!p0 $0x0  }
0x12: {  	s1 =	sld [smem:$0x3F99];
	s0 =	simm.s32 @p0 $0x1  }
0x13: {  	[smem:$0x3FB4] =	sst s0;
	s0 =	simm.s32 @!p1 $0x0  }
0x14: {  	s2 =	sld [smem:$0x3F98];
	s0 =	simm.s32 @p1 $0x1  }
0x15: {  	[smem:$0x3FB5] =	sst s0;
	s0 =	simm.s32 @!p2 $0x0  }
0x16: {  	s3 =	sld [smem:$0x3FDB];
	s0 =	simm.s32 @p2 $0x1  }
0x17: {  	s4 =	simm.s32 $0x1BF5;
	[smem:$0x3FB7] =	sst s0  }
0x18: {  	s0 =	sld [smem:$0x3F9A];
	_ =	swait.ge [sflag:s4], $0x0  }
0x19: {  	s7 =	sld [smem:$0x3F9B]  }
0x1a: {  	s8 =	sadd.s32 $0xFFFFE003, lr  }
0x1b: {  	s9 =	sadd.s32 $0xFFFFFEF7, lr;
	s5 =	simm.s32 $0xFFFFFFFF;
	p2 =	slt.u32 s8, $0xFFFFF086  }
0x1c: {  	p1 =	slt.u32 s9, $0xF7A;
	s5 =	simm.s32 @!p2 $0x0  }
0x1d: {  	s5 =	simm.s32 @p1 $0x1;
	p0 =	seq.s32 s7, s2  }
0x1e: {  	s7 =	smul.u32 @!p0 $0xF7A, s2;
	p2 =	seq.s32 @!p0 s5, $0x0  }
0x1f: {  	s9 =	smul.u32 $0xF7A, s1;
	s8 =	simm.s32 @!p0 $0x1BF5;
	p2 =	por !p2, p0  }
0x20: {  	[sflag:s8] =	ssyncset.s32 @!p0 $0xFFFFF086;
	s6 =	sadd.s32 @!p0 s3, s7;
	s7 =	simm.s32 @!p0 $0x108  }
0x21: {  	s3 =	sadd.s32 s3, s9;
	s6 =	sadd.s32 @!p0 $0x88, s6;
	s7 =	simm.s32 @p2 $0x1082  }
0x22: {  	[simem:s7], [sflag:s8] =	dma.local @!p0 [hbm:s6], $0xF7A  }
0x23: {  	s9 =	sor.u32 $0xD0000000, s2;
	s6 =	simm.s32 $0x108;
	_ =	swait.ge @!p0 [sflag:s8], $0x0  }
0x24: {  	s3 =	sadd.s32 $0x88, s3;
	s6 =	simm.s32 @!p1 $0x1082;
	[sflag:s4] =	ssyncset.s32 $0xFFFFF086  }
0x25: {  	[simem:s6], [sflag:s4] =	dma.local [hbm:s3], $0xF7A  }
0x26: {  	[smem:$0x3F9B] =	sst s1;
	(tag) =	ssettag s2;
	_ =	strace s9  }
0x27: {  	s1 =	sld [smem:$0x3FAB]  }
0x28: {  	s2 =	sld [smem:$0x3FAC]  }
0x29: {  	s4 =	sld [smem:$0x3FAE]  }
0x2a: {  	p0 =	seq.s32 s5, $0x0;
	s5 =	sld [smem:$0x3FAF]  }
0x2b: {  	s6 =	sld [smem:$0x3FB0]  }
0x2c: {  	s7 =	sld [smem:$0x3FB1]  }
0x2d: {  	s3 =	simm.s32 $0x108;
	s8 =	sld [smem:$0x3FB2]  }
0x2e: {  	s3 =	simm.s32 @!p0 $0x1082;
	s9 =	sld [smem:$0x3FB3]  }
0x2f: {  	lr =	sadd.s32 s0, s3;
	s0 =	sld [smem:$0x3FAA]  }
0x30: {  	s3 =	sld [smem:$0x3FAD]  }
0x31: {  	[smem:$0x3FB6] =	sst s10  }
0x32: {  	s10 =	sld [smem:$0x3FB4];
	_ =	sdelay $0x3  }
0x33: {  	p0 =	seq.s32 s10, $0x1;
	s10 =	sld [smem:$0x3FB6];
	_ =	sdelay $0x3  }
0x34: {  	[smem:$0x3FB6] =	sst s10  }
0x35: {  	s10 =	sld [smem:$0x3FB5];
	_ =	sdelay $0x3  }
0x36: {  	p1 =	seq.s32 s10, $0x1;
	s10 =	sld [smem:$0x3FB6];
	_ =	sdelay $0x3  }
0x37: {  	[smem:$0x3FB6] =	sst s10  }
0x38: {  	s10 =	sld [smem:$0x3FB7]  }
0x39: {  	_ = 	snop;
	(pc) =	sbr.ind lr, $3  }
0x3a: {  	_ = 	snop  }
0x3b: {  	_ = 	snop  }
0x3c: {  	p2 =	seq.s32 s10, $0x1;
	s10 =	sld [smem:$0x3FB6]  }
0x3d: {  	_ =	shalt  }
0x3e: {  	_ =	shalt  }
0x3f: {  	_ =	shalt  }
0x40: {  	_ =	shalt  }
0x41: {  	_ =	shalt  }
0x42: {  	_ =	shalt  }
0x43: {  	_ =	shalt  }
0x44: {  	_ =	shalt  }
0x45: {  	_ =	shalt  }
0x46: {  	_ =	shalt  }
0x47: {  	_ =	shalt  }
0x48: {  	_ =	shalt  }
0x49: {  	_ =	shalt  }
0x4a: {  	_ =	shalt  }
0x4b: {  	_ =	shalt  }
0x4c: {  	_ =	shalt  }
0x4d: {  	_ =	shalt  }
0x4e: {  	_ =	shalt  }
0x4f: {  	_ =	shalt  }
0x50: {  	_ =	shalt  }
0x51: {  	_ =	shalt  }
0x52: {  	_ =	shalt  }
0x53: {  	_ =	shalt  }
0x54: {  	_ =	shalt  }
0x55: {  	_ =	shalt  }
0x56: {  	_ =	shalt  }
0x57: {  	_ =	shalt  }
0x58: {  	_ =	shalt  }
0x59: {  	_ =	shalt  }
0x5a: {  	_ =	shalt  }
0x5b: {  	_ =	shalt  }
0x5c: {  	_ =	shalt  }
0x5d: {  	_ =	shalt  }
0x5e: {  	_ =	shalt  }
0x5f: {  	_ =	shalt  }
0x60: {  	_ =	shalt  }
0x61: {  	_ =	shalt  }
0x62: {  	_ =	shalt  }
0x63: {  	_ =	shalt  }
0x64: {  	_ =	shalt  }
0x65: {  	_ =	shalt  }
0x66: {  	_ =	shalt  }
0x67: {  	_ =	shalt  }
0x68: {  	_ =	shalt  }
0x69: {  	_ =	shalt  }
0x6a: {  	_ =	shalt  }
0x6b: {  	_ =	shalt  }
0x6c: {  	_ =	shalt  }
0x6d: {  	_ =	shalt  }
0x6e: {  	_ =	shalt  }
0x6f: {  	_ =	shalt  }
0x70: {  	_ =	shalt  }
0x71: {  	_ =	shalt  }
0x72: {  	_ =	shalt  }
0x73: {  	_ =	shalt  }
0x74: {  	_ =	shalt  }
0x75: {  	_ =	shalt  }
0x76: {  	_ =	shalt  }
0x77: {  	_ =	shalt  }
0x78: {  	_ =	shalt  }
0x79: {  	_ =	shalt  }
0x7a: {  	_ =	shalt  }
0x7b: {  	_ =	shalt  }
0x7c: {  	_ =	shalt  }
0x7d: {  	_ =	shalt  }
0x7e: {  	_ =	shalt  }
0x7f: {  	_ =	shalt  }
0x80: {  	_ =	shalt  }
0x81: {  	_ =	shalt  }
0x82: {  	_ =	shalt  }
0x83: {  	_ =	shalt  }
0x84: {  	_ =	shalt  }
0x85: {  	_ =	shalt  }
0x86: {  	_ =	shalt  }
0x87: {  	_ =	shalt  }
.Lfunc_end0:
.L_simem_size_0:
called_computation_lowered:
.L_overlay_start_0:
0x88: {  	s2 =	sld [smem:$0x3FD9]  }
0x89: {  	s3 =	sld [smem:$0x3FFE];
	_ =	sdelay $0x1  }
0x8a: {  	s1 =	srdreg.scid  }
0x8b: {  	s0 =	sand.u32 $0x1, s1  }
0x8c: {  	s14 =	sshll.u32 s0, $0xA;
	s2 =	sadd.s32 s3, s2  }
0x8d: {  	s2 =	sadd.s32 s2, s14  }
0x8e: {  	[smem:$0x3FC2] =	sst s2  }
0x8f: {  	_ = 	snop  }
0x90: {  	s2 =	sld [smem:$0x3FD0];
	_ =	sdelay $0x2  }
0x91: {  	s4 =	simm.s32 $0xA;
	s5 =	simm.s32 $0x10;
	s15 =	sld [smem:$0x3FC4]  }
0x92: {  	[smem:s5], [sflag:s4] =	dma.local [hbm:s2], $0x1  }
0x93: {  	_ =	swait.eq [sflag:s4], $0x1  }
0x94: {  	[sflag:s4] =	ssyncset.done $0x0  }
0x95: {  	[sflag:s4] =	ssyncadd.s32 $0xFFFFFFFF  }
0x96: {  	s16 =	sld [smem:$0x11];
	(tm) =	ssettm $0x1  }
0x97: {  	s17 =	sld [smem:$0x3FFB];
	_ =	sdelay $0x3  }
0x98: {  	_ =	strace s17  }
0x99: {  	s4 =	sld [smem:$0x3FFC];
	_ =	sdelay $0x3  }
0x9a: {  	_ =	strace s4  }
0x9b: {  	s4 =	sld [smem:$0x3FFD];
	_ =	sdelay $0x3  }
0x9c: {  	_ =	strace s4  }
0x9d: {  	_ =	strace $0x8FFFFFFF  }
0x9e: {  	s18 =	sld [smem:$0x3FDB];
	_ =	sdelay $0x1  }
0x9f: {  	s19 =	simm.s32 $_scs_section_size  }
0xa0: {  	s6 =	simm.s32 $_size__tile_overlayer_lowered;
	s7 =	simm.s32 $_tile_overlayer_lowered  }
0xa1: {  	s22 =	simm.s32 $0x1BFF;
	s21 =	sshll.u32 s7, $0x1;
	s4 =	sadd.s32 s19, s18  }
0xa2: {  	s8 =	simm.s32 $0x0;
	s20 =	sshll.u32 s6, $0x1;
	s6 =	sadd.s32 s21, s4  }
0xa3: {  	[timem:s8], [sflag:s22] =	dma.local [hbm:s6], s20  }
0xa4: {  	_ =	swait.ge [sflag:s22], s20  }
0xa5: {  	s5 =	ssub.s32 $0x0, s20;
	[sflag:s22] =	ssyncset.done $0x0  }
0xa6: {  	[sflag:s22] =	ssyncadd.s32 s5;
	_ =	sdelay $0x1  }
0xa7: {  	s23 =	simm.s32 $0x1B8B  }
0xa8: {  	_ =	swait.ge [sflag:s23], $0x1  }
0xa9: {  	[sflag:s23] =	ssyncset.done $0x0  }
0xaa: {  	s25 =	simm.s32 $0x1B8E;
	s24 =	sld [smem:$0x3FFE];
	[sflag:s23] =	ssyncadd.s32 $0xFFFFFFFF  }
0xab: {  	s26 =	simm.s32 $execute0_lowered;
	[smem:$0x3FD2] =	sst s25  }
0xac: {  	s6 =	sshll.u32 s26, $0x1;
	_ =	strace $0x80000046;
	[dreg:$0x1] =	wrdreg $0xFFFFFFFF  }
0xad: {  	s28 =	simm.s32 $_size_execute0_lowered;
	s4 =	sadd.s32 s4, s6;
	[dreg:$0x0] =	wrdreg $0x0  }
0xae: {  	s6 =	sshll.u32 s28, $0x1;
	[dreg:$0x2] =	wrdreg s4  }
0xaf: {  	[dreg:$0x3] =	wrdreg s6  }
0xb0: {  	[dreg:$0x4] =	wrdreg $0xC0  }
0xb1: {  	_ =	task [dreg:s8], $0x5FFFF  }
0xb2: {  	[dreg:$0x1] =	wrdreg $0xFFFFFFFF  }
0xb3: {  	[dreg:$0x0] =	wrdreg $0x60  }
0xb4: {  	[dreg:$0x2] =	wrdreg s15  }
0xb5: {  	[dreg:$0x3] =	wrdreg s16  }
0xb6: {  	[dreg:$0x4] =	wrdreg s24  }
0xb7: {  	[dreg:$0x5] =	wrdreg $0x9  }
0xb8: {  	_ =	task.clear_ibuf [dreg:s8], $0x6FFFF;
	_ =	strace $0x90000046  }
0xb9: {  	s29 =	simm.s32 $0x9;
	_ =	strace $0x80000048  }
0xba: {  	_ =	swait.ge [sflag:s29], $0x1  }
0xbb: {  	[sflag:s29] =	ssyncadd.s32 $0xFFFFFFFF  }
0xbc: {  	_ =	strace $0x90000048  }
0xbd: {  	_ =	sfence  }
0xbe: {  	s30 =	sld [smem:$0x0];
	_ =	sdelay $0x2  }
0xbf: {  	s31 =	sshll.u32 s1, $0xD;
	s1 =	sshrl.u32 s1, $0x2  }
0xc0: {  	s3 =	sand.u32 $0x4000, s31;
	s1 =	sadd.s32 s1, s30  }
0xc1: {  	s0 =	sor.u32 s3, s0;
	s1 =	sshll.u32 s1, $0x11  }
0xc2: {  	s0 =	sor.u32 s1, s0  }
0xc3: {  	s0 =	sadd.s32 $0x8F2B, s0  }
0xc4: {  	[sflag:s0] =	ssyncadd.remote.s32 $0x1  }
0xc5: {  	_ =	sfence.sel $0xFFFF  }
0xc6: {  	[dreg:$0x0] =	wrdreg $0xFFFFFFFF;
	(pc) =	sbr.abs _section_cstart, $3  }
0xc7: {  	[dreg:$0x1] =	wrdreg $0xFFFFFFFF  }
0xc8: {  	_ =	task.clear_ibuf [dreg:s8], $0x2FFFF;
	_ =	strace $0x9FFFFFFF  }
0xc9: {  	(tm) =	ssettm $0x7FFFFFFF  }
tec
execute0_lowered:
.L_overlay_start_1:
0x0: {  	(tag) =	ssettag $0x1  }
0x1: {  	s1 =	rddreg [dreg:$0x0]  }
0x2: {  	s0 =	rddreg [dreg:$0x1]  }
0x3: {  	s2 =	rddreg [dreg:$0x2];
	s4 =	srdreg.scid;
	s3 =	simm.s32 $0x0  }
0x4: {  	s5 =	stileid.u32;
	s28 =	simm.s32 $0x100;
	s12 =	simm.s32 $0x1  }
0x5: {  	s4 =	sand.u32 $0x1, s4;
	[smem:$0x7FF] =	sst s3;
	s5 =	sshll.u32 s5, $0xB  }
0x6: {  	s2 =	sadd.s32 $0x1200, s2;
	s6 =	sshll.u32 s4, $0xA;
	s4 =	ssub.s32 $0x2, s4  }
0x7: {  	_ =	strace $0x80000047;
	s5 =	sor.u32 s6, s5;
	s25 =	sshrl.u32 s4, $0x1  }
0x8: {  	s6 =	sshrl.u32 s5, $0x3;
	s7 =	sshll.u32 s5, $0x5;
	s8 =	sor.u32 $0x100, s5  }
0x9: {  	s24 =	sor.u32 $0x200, s5;
	s5 =	sor.u32 $0x300, s5;
	s6 =	sadd.s32 s0, s6  }
0xa: {  	s19 =	sadd.s32 s2, s7;
	s20 =	sshrl.u32 s8, $0x3;
	[dreg:$0x4] =	wrdreg s6  }
0xb: {  	s22 =	sshll.u32 s8, $0x5;
	[dreg:$0x5] =	wrdreg s19;
	s21 =	sadd.s32 s0, s20  }
0xc: {  	s26 =	sshrl.u32 s24, $0x3;
	s23 =	sadd.s32 s2, s22;
	[dreg:$0x6] =	wrdreg s21  }
0xd: {  	s7 =	sshll.u32 s24, $0x5;
	s6 =	sadd.s32 s0, s26;
	[dreg:$0x7] =	wrdreg s23  }
0xe: {  	s30 =	sshrl.u32 s5, $0x3;
	s29 =	sadd.s32 s2, s7;
	[dreg:$0x8] =	wrdreg s6  }
0xf: {  	v2 =	vlaneseq.u32;
	s5 =	sshll.u32 s5, $0x5;
	s0 =	sadd.s32 s0, s30;
	[dreg:$0x9] =	wrdreg s29  }
0x10: {  	vm0 =	vmmov $0xffff;
	v1 =	vshrl.u32 v2, $0x3;
	s4 =	ssub.s32 s4, s25;
	s31 =	sadd.s32 s2, s5;
	[dreg:$0xa] =	wrdreg s0  }
0x11: {  	v0 =	vand.u32 $0x7, v2;
	v2 =	vor.u32 $0x8, v2;
	v1 =	vmul.u32 $0x8, v1;
	s4 =	smax.u32 s4, $0x1;
	s5 =	simm.s32 $0x2;
	[dreg:$0xb] =	wrdreg s31  }
.LBB2_1:
0x12: {  	s13 =	rddreg [dreg:$0x4]  }
0x13: {  	[tilespmem:s3], [sflag:$0x2] =	stream.linear.gather [hbm4b:s13+s3], $0x100, $0x38;
	[tilespmem:$0x10100] =	vst v63  }
0x14: {  	_ =	swait.ge [sflag:s5], $0x100  }
0x15: {  	[sflag:s5] =	ssyncset.done $0x0  }
0x16: {  	[sflag:s5] =	ssyncadd.s32 $0xFFFFFF00  }
0x17: {  	v3 =	vld [tilespmem:$0x0];
	_ =	sdelay $0x4  }
0x18: {  	v4 =	vshll.u32 v3, $0x1  }
0x19: {  	v3 =	vand.u32 $0x7, v3;
	v4 =	vand.u32 $0xFFFFFFF0, v4  }
0x1a: {  	v3 =	vor.u32 v3, v4  }
0x1b: {  	v4 =	vperm.xlane v3, v0;
	_ =	sdelay $0x1  }
0x1c: {  	v3 =	vperm.xlane v3, v2;
	v4 =	vadd.s32 v1, v4;
	_ =	sdelay $0x1  }
0x1d: {  	v3 =	vadd.s32 v1, v3;
	_ =	sdelay $0x2  }
0x1e: {  	[tilespmem:s28], [sflag:$0x1] =	stream.indirect_vreg.gather [hbm4b:s1+s3], $0x80, v4, vm0, $0xb8;
	[tilespmem:$0x10100] =	vst v63  }
0x1f: {  	s0 =	simm.s32 $0x900  }
0x20: {  	[tilespmem:s0], [sflag:$0x1] =	stream.indirect_vreg.gather [hbm4b:s1+s3], $0x80, v3, vm0, $0xb8;
	[tilespmem:$0x10100] =	vst v63  }
0x21: {  	v3 =	vld [tilespmem:$0x10];
	_ =	sdelay $0x4  }
0x22: {  	v57 =	vshll.u32 v3, $0x1  }
0x23: {  	v3 =	vand.u32 $0x7, v3;
	v4 =	vand.u32 $0xFFFFFFF0, v57  }
0x24: {  	v3 =	vor.u32 v3, v4  }
0x25: {  	v4 =	vperm.xlane v3, v0;
	_ =	sdelay $0x1  }
0x26: {  	v3 =	vperm.xlane v3, v2;
	v4 =	vadd.s32 v1, v4;
	_ =	sdelay $0x1  }
0x27: {  	v3 =	vadd.s32 v1, v3;
	_ =	sdelay $0x1  }
0x28: {  	s7 =	simm.s32 $0x1100  }
0x29: {  	[tilespmem:s7], [sflag:$0x1] =	stream.indirect_vreg.gather [hbm4b:s1+s3], $0x80, v4, vm0, $0xb8;
	[tilespmem:$0x10100] =	vst v63  }
0x2a: {  	s8 =	simm.s32 $0x1900  }
0x2b: {  	[tilespmem:s8], [sflag:$0x1] =	stream.indirect_vreg.gather [hbm4b:s1+s3], $0x80, v3, vm0, $0xb8;
	[tilespmem:$0x10100] =	vst v63  }
0x2c: {  	v3 =	vld [tilespmem:$0x20];
	_ =	sdelay $0x4  }
0x2d: {  	v58 =	vshll.u32 v3, $0x1  }
0x2e: {  	v3 =	vand.u32 $0x7, v3;
	v4 =	vand.u32 $0xFFFFFFF0, v58  }
0x2f: {  	v3 =	vor.u32 v3, v4  }
0x30: {  	v4 =	vperm.xlane v3, v0;
	_ =	sdelay $0x1  }
0x31: {  	v3 =	vperm.xlane v3, v2;
	v4 =	vadd.s32 v1, v4;
	_ =	sdelay $0x1  }
0x32: {  	v3 =	vadd.s32 v1, v3;
	_ =	sdelay $0x1  }
0x33: {  	s9 =	simm.s32 $0x2100  }
0x34: {  	[tilespmem:s9], [sflag:$0x1] =	stream.indirect_vreg.gather [hbm4b:s1+s3], $0x80, v4, vm0, $0xb8;
	[tilespmem:$0x10100] =	vst v63  }
0x35: {  	s10 =	simm.s32 $0x2900  }
0x36: {  	[tilespmem:s10], [sflag:$0x1] =	stream.indirect_vreg.gather [hbm4b:s1+s3], $0x80, v3, vm0, $0xb8;
	[tilespmem:$0x10100] =	vst v63  }
0x37: {  	v3 =	vld [tilespmem:$0x30];
	_ =	sdelay $0x4  }
0x38: {  	v59 =	vshll.u32 v3, $0x1  }
0x39: {  	v3 =	vand.u32 $0x7, v3;
	v4 =	vand.u32 $0xFFFFFFF0, v59  }
0x3a: {  	v3 =	vor.u32 v3, v4  }
0x3b: {  	v4 =	vperm.xlane v3, v0;
	_ =	sdelay $0x1  }
0x3c: {  	v3 =	vperm.xlane v3, v2;
	v4 =	vadd.s32 v1, v4;
	_ =	sdelay $0x1  }
0x3d: {  	v3 =	vadd.s32 v1, v3;
	_ =	sdelay $0x1  }
0x3e: {  	s11 =	simm.s32 $0x3100  }
0x3f: {  	[tilespmem:s11], [sflag:$0x1] =	stream.indirect_vreg.gather [hbm4b:s1+s3], $0x80, v4, vm0, $0xb8;
	[tilespmem:$0x10100] =	vst v63  }
0x40: {  	s13 =	simm.s32 $0x3900  }
0x41: {  	[tilespmem:s13], [sflag:$0x1] =	stream.indirect_vreg.gather [hbm4b:s1+s3], $0x80, v3, vm0, $0xb8;
	[tilespmem:$0x10100] =	vst v63  }
0x42: {  	v3 =	vld [tilespmem:$0x40];
	_ =	sdelay $0x4  }
0x43: {  	v60 =	vshll.u32 v3, $0x1  }
0x44: {  	v3 =	vand.u32 $0x7, v3;
	v4 =	vand.u32 $0xFFFFFFF0, v60  }
0x45: {  	v3 =	vor.u32 v3, v4  }
0x46: {  	v4 =	vperm.xlane v3, v0;
	_ =	sdelay $0x1  }
0x47: {  	v3 =	vperm.xlane v3, v2;
	v4 =	vadd.s32 v1, v4;
	_ =	sdelay $0x1  }
0x48: {  	v3 =	vadd.s32 v1, v3;
	_ =	sdelay $0x1  }
0x49: {  	s14 =	simm.s32 $0x4100  }
0x4a: {  	[tilespmem:s14], [sflag:$0x1] =	stream.indirect_vreg.gather [hbm4b:s1+s3], $0x80, v4, vm0, $0xb8;
	[tilespmem:$0x10100] =	vst v63  }
0x4b: {  	s15 =	simm.s32 $0x4900  }
0x4c: {  	[tilespmem:s15], [sflag:$0x1] =	stream.indirect_vreg.gather [hbm4b:s1+s3], $0x80, v3, vm0, $0xb8;
	[tilespmem:$0x10100] =	vst v63  }
0x4d: {  	v3 =	vld [tilespmem:$0x50];
	_ =	sdelay $0x4  }
0x4e: {  	v61 =	vshll.u32 v3, $0x1  }
0x4f: {  	v3 =	vand.u32 $0x7, v3;
	v4 =	vand.u32 $0xFFFFFFF0, v61  }
0x50: {  	v3 =	vor.u32 v3, v4  }
0x51: {  	v4 =	vperm.xlane v3, v0;
	_ =	sdelay $0x1  }
0x52: {  	v3 =	vperm.xlane v3, v2;
	v4 =	vadd.s32 v1, v4;
	_ =	sdelay $0x1  }
0x53: {  	v3 =	vadd.s32 v1, v3;
	_ =	sdelay $0x1  }
0x54: {  	s16 =	simm.s32 $0x5100  }
0x55: {  	[tilespmem:s16], [sflag:$0x1] =	stream.indirect_vreg.gather [hbm4b:s1+s3], $0x80, v4, vm0, $0xb8;
	[tilespmem:$0x10100] =	vst v63  }
0x56: {  	s17 =	simm.s32 $0x5900  }
0x57: {  	[tilespmem:s17], [sflag:$0x1] =	stream.indirect_vreg.gather [hbm4b:s1+s3], $0x80, v3, vm0, $0xb8;
	[tilespmem:$0x10100] =	vst v63  }
0x58: {  	v3 =	vld [tilespmem:$0x60];
	_ =	sdelay $0x4  }
0x59: {  	v62 =	vshll.u32 v3, $0x1  }
0x5a: {  	v3 =	vand.u32 $0x7, v3;
	v4 =	vand.u32 $0xFFFFFFF0, v62  }
0x5b: {  	v3 =	vor.u32 v3, v4  }
0x5c: {  	v4 =	vperm.xlane v3, v0;
	_ =	sdelay $0x1  }
0x5d: {  	v3 =	vperm.xlane v3, v2;
	v4 =	vadd.s32 v1, v4;
	_ =	sdelay $0x1  }
0x5e: {  	v3 =	vadd.s32 v1, v3;
	_ =	sdelay $0x1  }
0x5f: {  	s18 =	simm.s32 $0x6100  }
0x60: {  	[tilespmem:s18], [sflag:$0x1] =	stream.indirect_vreg.gather [hbm4b:s1+s3], $0x80, v4, vm0, $0xb8;
	[tilespmem:$0x10100] =	vst v63  }
0x61: {  	s19 =	simm.s32 $0x6900  }
0x62: {  	[tilespmem:s19], [sflag:$0x1] =	stream.indirect_vreg.gather [hbm4b:s1+s3], $0x80, v3, vm0, $0xb8;
	[tilespmem:$0x10100] =	vst v63  }
0x63: {  	v3 =	vld [tilespmem:$0x70];
	_ =	sdelay $0x4  }
0x64: {  	v63 =	vshll.u32 v3, $0x1  }
0x65: {  	v3 =	vand.u32 $0x7, v3;
	v4 =	vand.u32 $0xFFFFFFF0, v63  }
0x66: {  	v3 =	vor.u32 v3, v4  }
0x67: {  	v4 =	vperm.xlane v3, v0;
	_ =	sdelay $0x1  }
0x68: {  	v3 =	vperm.xlane v3, v2;
	v4 =	vadd.s32 v1, v4;
	_ =	sdelay $0x1  }
0x69: {  	v3 =	vadd.s32 v1, v3;
	_ =	sdelay $0x1  }
0x6a: {  	s20 =	simm.s32 $0x7100  }
0x6b: {  	[tilespmem:s20], [sflag:$0x1] =	stream.indirect_vreg.gather [hbm4b:s1+s3], $0x80, v4, vm0, $0xb8;
	[tilespmem:$0x10100] =	vst v63  }
0x6c: {  	s21 =	simm.s32 $0x7900  }
0x6d: {  	[tilespmem:s21], [sflag:$0x1] =	stream.indirect_vreg.gather [hbm4b:s1+s3], $0x80, v3, vm0, $0xb8;
	[tilespmem:$0x10100] =	vst v63  }
0x6e: {  	v3 =	vld [tilespmem:$0x80];
	_ =	sdelay $0x4  }
0x6f: {  	v8 =	vshll.u32 v3, $0x1  }
0x70: {  	v3 =	vand.u32 $0x7, v3;
	v4 =	vand.u32 $0xFFFFFFF0, v8  }
0x71: {  	v3 =	vor.u32 v3, v4  }
0x72: {  	v4 =	vperm.xlane v3, v0;
	_ =	sdelay $0x1  }
0x73: {  	v3 =	vperm.xlane v3, v2;
	v4 =	vadd.s32 v1, v4;
	_ =	sdelay $0x1  }
0x74: {  	v3 =	vadd.s32 v1, v3;
	_ =	sdelay $0x1  }
0x75: {  	s22 =	simm.s32 $0x8100  }
0x76: {  	[tilespmem:s22], [sflag:$0x1] =	stream.indirect_vreg.gather [hbm4b:s1+s3], $0x80, v4, vm0, $0xb8;
	[tilespmem:$0x10100] =	vst v63  }
0x77: {  	s23 =	simm.s32 $0x8900  }
0x78: {  	[tilespmem:s23], [sflag:$0x1] =	stream.indirect_vreg.gather [hbm4b:s1+s3], $0x80, v3, vm0, $0xb8;
	[tilespmem:$0x10100] =	vst v63  }
0x79: {  	v3 =	vld [tilespmem:$0x90];
	_ =	sdelay $0x4  }
0x7a: {  	v9 =	vshll.u32 v3, $0x1  }
0x7b: {  	v3 =	vand.u32 $0x7, v3;
	v4 =	vand.u32 $0xFFFFFFF0, v9  }
0x7c: {  	v3 =	vor.u32 v3, v4  }
0x7d: {  	v4 =	vperm.xlane v3, v0;
	_ =	sdelay $0x1  }
0x7e: {  	v3 =	vperm.xlane v3, v2;
	v4 =	vadd.s32 v1, v4;
	_ =	sdelay $0x1  }
0x7f: {  	v3 =	vadd.s32 v1, v3;
	_ =	sdelay $0x1  }
0x80: {  	s24 =	simm.s32 $0x9100  }
0x81: {  	[tilespmem:s24], [sflag:$0x1] =	stream.indirect_vreg.gather [hbm4b:s1+s3], $0x80, v4, vm0, $0xb8;
	[tilespmem:$0x10100] =	vst v63  }
0x82: {  	s25 =	simm.s32 $0x9900  }
0x83: {  	[tilespmem:s25], [sflag:$0x1] =	stream.indirect_vreg.gather [hbm4b:s1+s3], $0x80, v3, vm0, $0xb8;
	[tilespmem:$0x10100] =	vst v63  }
0x84: {  	v3 =	vld [tilespmem:$0xA0];
	_ =	sdelay $0x4  }
0x85: {  	v10 =	vshll.u32 v3, $0x1  }
0x86: {  	v3 =	vand.u32 $0x7, v3;
	v4 =	vand.u32 $0xFFFFFFF0, v10  }
0x87: {  	v3 =	vor.u32 v3, v4  }
0x88: {  	v4 =	vperm.xlane v3, v0;
	_ =	sdelay $0x1  }
0x89: {  	v3 =	vperm.xlane v3, v2;
	v4 =	vadd.s32 v1, v4;
	_ =	sdelay $0x1  }
0x8a: {  	v3 =	vadd.s32 v1, v3;
	_ =	sdelay $0x1  }
0x8b: {  	s26 =	simm.s32 $0xA100  }
0x8c: {  	[tilespmem:s26], [sflag:$0x1] =	stream.indirect_vreg.gather [hbm4b:s1+s3], $0x80, v4, vm0, $0xb8;
	[tilespmem:$0x10100] =	vst v63  }
0x8d: {  	s29 =	simm.s32 $0xA900  }
0x8e: {  	[tilespmem:s29], [sflag:$0x1] =	stream.indirect_vreg.gather [hbm4b:s1+s3], $0x80, v3, vm0, $0xb8;
	[tilespmem:$0x10100] =	vst v63  }
0x8f: {  	v3 =	vld [tilespmem:$0xB0];
	_ =	sdelay $0x4  }
0x90: {  	v11 =	vshll.u32 v3, $0x1  }
0x91: {  	v3 =	vand.u32 $0x7, v3;
	v4 =	vand.u32 $0xFFFFFFF0, v11  }
0x92: {  	v3 =	vor.u32 v3, v4  }
0x93: {  	v4 =	vperm.xlane v3, v0;
	_ =	sdelay $0x1  }
0x94: {  	v3 =	vperm.xlane v3, v2;
	v4 =	vadd.s32 v1, v4;
	_ =	sdelay $0x1  }
0x95: {  	v3 =	vadd.s32 v1, v3;
	_ =	sdelay $0x1  }
0x96: {  	s30 =	simm.s32 $0xB100  }
0x97: {  	[tilespmem:s30], [sflag:$0x1] =	stream.indirect_vreg.gather [hbm4b:s1+s3], $0x80, v4, vm0, $0xb8;
	[tilespmem:$0x10100] =	vst v63  }
0x98: {  	s31 =	simm.s32 $0xB900  }
0x99: {  	[tilespmem:s31], [sflag:$0x1] =	stream.indirect_vreg.gather [hbm4b:s1+s3], $0x80, v3, vm0, $0xb8;
	[tilespmem:$0x10100] =	vst v63  }
0x9a: {  	v3 =	vld [tilespmem:$0xC0];
	_ =	sdelay $0x4  }
0x9b: {  	v12 =	vshll.u32 v3, $0x1  }
0x9c: {  	v3 =	vand.u32 $0x7, v3;
	v4 =	vand.u32 $0xFFFFFFF0, v12  }
0x9d: {  	v3 =	vor.u32 v3, v4  }
0x9e: {  	v4 =	vperm.xlane v3, v0;
	_ =	sdelay $0x1  }
0x9f: {  	v3 =	vperm.xlane v3, v2;
	v4 =	vadd.s32 v1, v4;
	_ =	sdelay $0x1  }
0xa0: {  	v3 =	vadd.s32 v1, v3;
	_ =	sdelay $0x1  }
0xa1: {  	s9 =	simm.s32 $0xC100  }
0xa2: {  	[tilespmem:s9], [sflag:$0x1] =	stream.indirect_vreg.gather [hbm4b:s1+s3], $0x80, v4, vm0, $0xb8;
	[tilespmem:$0x10100] =	vst v63  }
0xa3: {  	s11 =	simm.s32 $0xC900  }
0xa4: {  	[tilespmem:s11], [sflag:$0x1] =	stream.indirect_vreg.gather [hbm4b:s1+s3], $0x80, v3, vm0, $0xb8;
	[tilespmem:$0x10100] =	vst v63  }
0xa5: {  	v3 =	vld [tilespmem:$0xD0];
	_ =	sdelay $0x4  }
0xa6: {  	v13 =	vshll.u32 v3, $0x1  }
0xa7: {  	v3 =	vand.u32 $0x7, v3;
	v4 =	vand.u32 $0xFFFFFFF0, v13  }
0xa8: {  	v3 =	vor.u32 v3, v4  }
0xa9: {  	v4 =	vperm.xlane v3, v0;
	_ =	sdelay $0x1  }
0xaa: {  	v3 =	vperm.xlane v3, v2;
	v4 =	vadd.s32 v1, v4;
	_ =	sdelay $0x1  }
0xab: {  	v3 =	vadd.s32 v1, v3;
	_ =	sdelay $0x1  }
0xac: {  	s14 =	simm.s32 $0xD100  }
0xad: {  	[tilespmem:s14], [sflag:$0x1] =	stream.indirect_vreg.gather [hbm4b:s1+s3], $0x80, v4, vm0, $0xb8;
	[tilespmem:$0x10100] =	vst v63  }
0xae: {  	s15 =	simm.s32 $0xD900  }
0xaf: {  	[tilespmem:s15], [sflag:$0x1] =	stream.indirect_vreg.gather [hbm4b:s1+s3], $0x80, v3, vm0, $0xb8;
	[tilespmem:$0x10100] =	vst v63  }
0xb0: {  	v3 =	vld [tilespmem:$0xE0];
	_ =	sdelay $0x4  }
0xb1: {  	v14 =	vshll.u32 v3, $0x1  }
0xb2: {  	v3 =	vand.u32 $0x7, v3;
	v4 =	vand.u32 $0xFFFFFFF0, v14  }
0xb3: {  	v3 =	vor.u32 v3, v4  }
0xb4: {  	v4 =	vperm.xlane v3, v0;
	_ =	sdelay $0x1  }
0xb5: {  	v3 =	vperm.xlane v3, v2;
	v4 =	vadd.s32 v1, v4;
	_ =	sdelay $0x1  }
0xb6: {  	v3 =	vadd.s32 v1, v3;
	_ =	sdelay $0x1  }
0xb7: {  	s16 =	simm.s32 $0xE100  }
0xb8: {  	[tilespmem:s16], [sflag:$0x1] =	stream.indirect_vreg.gather [hbm4b:s1+s3], $0x80, v4, vm0, $0xb8;
	[tilespmem:$0x10100] =	vst v63  }
0xb9: {  	s18 =	simm.s32 $0xE900  }
0xba: {  	[tilespmem:s18], [sflag:$0x1] =	stream.indirect_vreg.gather [hbm4b:s1+s3], $0x80, v3, vm0, $0xb8;
	[tilespmem:$0x10100] =	vst v63  }
0xbb: {  	v3 =	vld [tilespmem:$0xF0];
	_ =	sdelay $0x4  }
0xbc: {  	v15 =	vshll.u32 v3, $0x1  }
0xbd: {  	v3 =	vand.u32 $0x7, v3;
	v4 =	vand.u32 $0xFFFFFFF0, v15  }
0xbe: {  	v3 =	vor.u32 v3, v4  }
0xbf: {  	v4 =	vperm.xlane v3, v0;
	_ =	sdelay $0x1  }
0xc0: {  	v3 =	vperm.xlane v3, v2;
	v4 =	vadd.s32 v1, v4;
	_ =	sdelay $0x1  }
0xc1: {  	v3 =	vadd.s32 v1, v3;
	_ =	sdelay $0x1  }
0xc2: {  	s19 =	simm.s32 $0xF100  }
0xc3: {  	[tilespmem:s19], [sflag:$0x1] =	stream.indirect_vreg.gather [hbm4b:s1+s3], $0x80, v4, vm0, $0xb8;
	[tilespmem:$0x10100] =	vst v63  }
0xc4: {  	s20 =	simm.s32 $0xF900  }
0xc5: {  	[tilespmem:s20], [sflag:$0x1] =	stream.indirect_vreg.gather [hbm4b:s1+s3], $0x80, v3, vm0, $0xb8;
	[tilespmem:$0x10100] =	vst v63  }
0xc6: {  	_ =	swait.ge [sflag:s12], $0x10000  }
0xc7: {  	[sflag:s12] =	ssyncset.done $0x0  }
0xc8: {  	s21 =	rddreg [dreg:$0x5];
	[sflag:s12] =	ssyncadd.s32 $0xFFFF0000  }
0xc9: {  	[hbm4b:s21+s3] =	stream.linear.scatter [tilespmem:s28], [sflag:$0x2], $0x10000, $0x38;
	[tilespmem:$0x10100] =	vst v63  }
0xca: {  	_ =	swait.ge [sflag:s5], $0x10000  }
0xcb: {  	[sflag:s5] =	ssyncset.done $0x0  }
0xcc: {  	s22 =	rddreg [dreg:$0x6];
	[sflag:s5] =	ssyncadd.s32 $0xFFFF0000  }
0xcd: {  	[tilespmem:s3], [sflag:$0x2] =	stream.linear.gather [hbm4b:s22+s3], $0x100, $0x38;
	[tilespmem:$0x10100] =	vst v63  }
0xce: {  	_ =	swait.ge [sflag:s5], $0x100  }
0xcf: {  	[sflag:s5] =	ssyncset.done $0x0  }
0xd0: {  	[sflag:s5] =	ssyncadd.s32 $0xFFFFFF00  }
0xd1: {  	v3 =	vld [tilespmem:$0x0];
	_ =	sdelay $0x4  }
0xd2: {  	v16 =	vshll.u32 v3, $0x1  }
0xd3: {  	v3 =	vand.u32 $0x7, v3;
	v4 =	vand.u32 $0xFFFFFFF0, v16  }
0xd4: {  	v3 =	vor.u32 v3, v4  }
0xd5: {  	v4 =	vperm.xlane v3, v0;
	_ =	sdelay $0x1  }
0xd6: {  	v3 =	vperm.xlane v3, v2;
	v4 =	vadd.s32 v1, v4;
	_ =	sdelay $0x1  }
0xd7: {  	v3 =	vadd.s32 v1, v3;
	_ =	sdelay $0x2  }
0xd8: {  	[tilespmem:s28], [sflag:$0x1] =	stream.indirect_vreg.gather [hbm4b:s1+s3], $0x80, v4, vm0, $0xb8;
	[tilespmem:$0x10100] =	vst v63  }
0xd9: {  	s6 =	simm.s32 $0x900  }
0xda: {  	[tilespmem:s6], [sflag:$0x1] =	stream.indirect_vreg.gather [hbm4b:s1+s3], $0x80, v3, vm0, $0xb8;
	[tilespmem:$0x10100] =	vst v63  }
0xdb: {  	v3 =	vld [tilespmem:$0x10];
	_ =	sdelay $0x4  }
0xdc: {  	v17 =	vshll.u32 v3, $0x1  }
0xdd: {  	v3 =	vand.u32 $0x7, v3;
	v4 =	vand.u32 $0xFFFFFFF0, v17  }
0xde: {  	v3 =	vor.u32 v3, v4  }
0xdf: {  	v4 =	vperm.xlane v3, v0;
	_ =	sdelay $0x1  }
0xe0: {  	v3 =	vperm.xlane v3, v2;
	v4 =	vadd.s32 v1, v4;
	_ =	sdelay $0x1  }
0xe1: {  	v3 =	vadd.s32 v1, v3;
	_ =	sdelay $0x1  }
0xe2: {  	s2 =	simm.s32 $0x1100  }
0xe3: {  	[tilespmem:s2], [sflag:$0x1] =	stream.indirect_vreg.gather [hbm4b:s1+s3], $0x80, v4, vm0, $0xb8;
	[tilespmem:$0x10100] =	vst v63  }
0xe4: {  	s8 =	simm.s32 $0x1900  }
0xe5: {  	[tilespmem:s8], [sflag:$0x1] =	stream.indirect_vreg.gather [hbm4b:s1+s3], $0x80, v3, vm0, $0xb8;
	[tilespmem:$0x10100] =	vst v63  }
0xe6: {  	v3 =	vld [tilespmem:$0x20];
	_ =	sdelay $0x4  }
0xe7: {  	v18 =	vshll.u32 v3, $0x1  }
0xe8: {  	v3 =	vand.u32 $0x7, v3;
	v4 =	vand.u32 $0xFFFFFFF0, v18  }
0xe9: {  	v3 =	vor.u32 v3, v4  }
0xea: {  	v4 =	vperm.xlane v3, v0;
	_ =	sdelay $0x1  }
0xeb: {  	v3 =	vperm.xlane v3, v2;
	v4 =	vadd.s32 v1, v4;
	_ =	sdelay $0x1  }
0xec: {  	v3 =	vadd.s32 v1, v3;
	_ =	sdelay $0x1  }
0xed: {  	s6 =	simm.s32 $0x2100  }
0xee: {  	[tilespmem:s6], [sflag:$0x1] =	stream.indirect_vreg.gather [hbm4b:s1+s3], $0x80, v4, vm0, $0xb8;
	[tilespmem:$0x10100] =	vst v63  }
0xef: {  	s9 =	simm.s32 $0x2900  }
0xf0: {  	[tilespmem:s9], [sflag:$0x1] =	stream.indirect_vreg.gather [hbm4b:s1+s3], $0x80, v3, vm0, $0xb8;
	[tilespmem:$0x10100] =	vst v63  }
0xf1: {  	v3 =	vld [tilespmem:$0x30];
	_ =	sdelay $0x4  }
0xf2: {  	v19 =	vshll.u32 v3, $0x1  }
0xf3: {  	v3 =	vand.u32 $0x7, v3;
	v4 =	vand.u32 $0xFFFFFFF0, v19  }
0xf4: {  	v3 =	vor.u32 v3, v4  }
0xf5: {  	v4 =	vperm.xlane v3, v0;
	_ =	sdelay $0x1  }
0xf6: {  	v3 =	vperm.xlane v3, v2;
	v4 =	vadd.s32 v1, v4;
	_ =	sdelay $0x1  }
0xf7: {  	v3 =	vadd.s32 v1, v3;
	_ =	sdelay $0x1  }
0xf8: {  	s7 =	simm.s32 $0x3100  }
0xf9: {  	[tilespmem:s7], [sflag:$0x1] =	stream.indirect_vreg.gather [hbm4b:s1+s3], $0x80, v4, vm0, $0xb8;
	[tilespmem:$0x10100] =	vst v63  }
0xfa: {  	s10 =	simm.s32 $0x3900  }
0xfb: {  	[tilespmem:s10], [sflag:$0x1] =	stream.indirect_vreg.gather [hbm4b:s1+s3], $0x80, v3, vm0, $0xb8;
	[tilespmem:$0x10100] =	vst v63  }
0xfc: {  	v3 =	vld [tilespmem:$0x40];
	_ =	sdelay $0x4  }
0xfd: {  	v20 =	vshll.u32 v3, $0x1  }
0xfe: {  	v3 =	vand.u32 $0x7, v3;
	v4 =	vand.u32 $0xFFFFFFF0, v20  }
0xff: {  	v3 =	vor.u32 v3, v4  }
0x100: {  	v4 =	vperm.xlane v3, v0;
	_ =	sdelay $0x1  }
0x101: {  	v3 =	vperm.xlane v3, v2;
	v4 =	vadd.s32 v1, v4;
	_ =	sdelay $0x1  }
0x102: {  	v3 =	vadd.s32 v1, v3;
	_ =	sdelay $0x1  }
0x103: {  	s10 =	simm.s32 $0x4100  }
0x104: {  	[tilespmem:s10], [sflag:$0x1] =	stream.indirect_vreg.gather [hbm4b:s1+s3], $0x80, v4, vm0, $0xb8;
	[tilespmem:$0x10100] =	vst v63  }
0x105: {  	s11 =	simm.s32 $0x4900  }
0x106: {  	[tilespmem:s11], [sflag:$0x1] =	stream.indirect_vreg.gather [hbm4b:s1+s3], $0x80, v3, vm0, $0xb8;
	[tilespmem:$0x10100] =	vst v63  }
0x107: {  	v3 =	vld [tilespmem:$0x50];
	_ =	sdelay $0x4  }
0x108: {  	v21 =	vshll.u32 v3, $0x1  }
0x109: {  	v3 =	vand.u32 $0x7, v3;
	v4 =	vand.u32 $0xFFFFFFF0, v21  }
0x10a: {  	v3 =	vor.u32 v3, v4  }
0x10b: {  	v4 =	vperm.xlane v3, v0;
	_ =	sdelay $0x1  }
0x10c: {  	v3 =	vperm.xlane v3, v2;
	v4 =	vadd.s32 v1, v4;
	_ =	sdelay $0x1  }
0x10d: {  	v3 =	vadd.s32 v1, v3;
	_ =	sdelay $0x1  }
0x10e: {  	s14 =	simm.s32 $0x5100  }
0x10f: {  	[tilespmem:s14], [sflag:$0x1] =	stream.indirect_vreg.gather [hbm4b:s1+s3], $0x80, v4, vm0, $0xb8;
	[tilespmem:$0x10100] =	vst v63  }
0x110: {  	s15 =	simm.s32 $0x5900  }
0x111: {  	[tilespmem:s15], [sflag:$0x1] =	stream.indirect_vreg.gather [hbm4b:s1+s3], $0x80, v3, vm0, $0xb8;
	[tilespmem:$0x10100] =	vst v63  }
0x112: {  	v3 =	vld [tilespmem:$0x60];
	_ =	sdelay $0x4  }
0x113: {  	v22 =	vshll.u32 v3, $0x1  }
0x114: {  	v3 =	vand.u32 $0x7, v3;
	v4 =	vand.u32 $0xFFFFFFF0, v22  }
0x115: {  	v3 =	vor.u32 v3, v4  }
0x116: {  	v4 =	vperm.xlane v3, v0;
	_ =	sdelay $0x1  }
0x117: {  	v3 =	vperm.xlane v3, v2;
	v4 =	vadd.s32 v1, v4;
	_ =	sdelay $0x1  }
0x118: {  	v3 =	vadd.s32 v1, v3;
	_ =	sdelay $0x1  }
0x119: {  	s16 =	simm.s32 $0x6100  }
0x11a: {  	[tilespmem:s16], [sflag:$0x1] =	stream.indirect_vreg.gather [hbm4b:s1+s3], $0x80, v4, vm0, $0xb8;
	[tilespmem:$0x10100] =	vst v63  }
0x11b: {  	s18 =	simm.s32 $0x6900  }
0x11c: {  	[tilespmem:s18], [sflag:$0x1] =	stream.indirect_vreg.gather [hbm4b:s1+s3], $0x80, v3, vm0, $0xb8;
	[tilespmem:$0x10100] =	vst v63  }
0x11d: {  	v3 =	vld [tilespmem:$0x70];
	_ =	sdelay $0x4  }
0x11e: {  	v23 =	vshll.u32 v3, $0x1  }
0x11f: {  	v3 =	vand.u32 $0x7, v3;
	v4 =	vand.u32 $0xFFFFFFF0, v23  }
0x120: {  	v3 =	vor.u32 v3, v4  }
0x121: {  	v4 =	vperm.xlane v3, v0;
	_ =	sdelay $0x1  }
0x122: {  	v3 =	vperm.xlane v3, v2;
	v4 =	vadd.s32 v1, v4;
	_ =	sdelay $0x1  }
0x123: {  	v3 =	vadd.s32 v1, v3;
	_ =	sdelay $0x1  }
0x124: {  	s19 =	simm.s32 $0x7100  }
0x125: {  	[tilespmem:s19], [sflag:$0x1] =	stream.indirect_vreg.gather [hbm4b:s1+s3], $0x80, v4, vm0, $0xb8;
	[tilespmem:$0x10100] =	vst v63  }
0x126: {  	s20 =	simm.s32 $0x7900  }
0x127: {  	[tilespmem:s20], [sflag:$0x1] =	stream.indirect_vreg.gather [hbm4b:s1+s3], $0x80, v3, vm0, $0xb8;
	[tilespmem:$0x10100] =	vst v63  }
0x128: {  	v3 =	vld [tilespmem:$0x80];
	_ =	sdelay $0x4  }
0x129: {  	v24 =	vshll.u32 v3, $0x1  }
0x12a: {  	v3 =	vand.u32 $0x7, v3;
	v4 =	vand.u32 $0xFFFFFFF0, v24  }
0x12b: {  	v3 =	vor.u32 v3, v4  }
0x12c: {  	v4 =	vperm.xlane v3, v0;
	_ =	sdelay $0x1  }
0x12d: {  	v3 =	vperm.xlane v3, v2;
	v4 =	vadd.s32 v1, v4;
	_ =	sdelay $0x1  }
0x12e: {  	v3 =	vadd.s32 v1, v3;
	_ =	sdelay $0x1  }
0x12f: {  	s21 =	simm.s32 $0x8100  }
0x130: {  	[tilespmem:s21], [sflag:$0x1] =	stream.indirect_vreg.gather [hbm4b:s1+s3], $0x80, v4, vm0, $0xb8;
	[tilespmem:$0x10100] =	vst v63  }
0x131: {  	s22 =	simm.s32 $0x8900  }
0x132: {  	[tilespmem:s22], [sflag:$0x1] =	stream.indirect_vreg.gather [hbm4b:s1+s3], $0x80, v3, vm0, $0xb8;
	[tilespmem:$0x10100] =	vst v63  }
0x133: {  	v3 =	vld [tilespmem:$0x90];
	_ =	sdelay $0x4  }
0x134: {  	v25 =	vshll.u32 v3, $0x1  }
0x135: {  	v3 =	vand.u32 $0x7, v3;
	v4 =	vand.u32 $0xFFFFFFF0, v25  }
0x136: {  	v3 =	vor.u32 v3, v4  }
0x137: {  	v4 =	vperm.xlane v3, v0;
	_ =	sdelay $0x1  }
0x138: {  	v3 =	vperm.xlane v3, v2;
	v4 =	vadd.s32 v1, v4;
	_ =	sdelay $0x1  }
0x139: {  	v3 =	vadd.s32 v1, v3;
	_ =	sdelay $0x1  }
0x13a: {  	s0 =	simm.s32 $0x9100  }
0x13b: {  	[tilespmem:s0], [sflag:$0x1] =	stream.indirect_vreg.gather [hbm4b:s1+s3], $0x80, v4, vm0, $0xb8;
	[tilespmem:$0x10100] =	vst v63  }
0x13c: {  	s7 =	simm.s32 $0x9900  }
0x13d: {  	[tilespmem:s7], [sflag:$0x1] =	stream.indirect_vreg.gather [hbm4b:s1+s3], $0x80, v3, vm0, $0xb8;
	[tilespmem:$0x10100] =	vst v63  }
0x13e: {  	v3 =	vld [tilespmem:$0xA0];
	_ =	sdelay $0x4  }
0x13f: {  	v26 =	vshll.u32 v3, $0x1  }
0x140: {  	v3 =	vand.u32 $0x7, v3;
	v4 =	vand.u32 $0xFFFFFFF0, v26  }
0x141: {  	v3 =	vor.u32 v3, v4  }
0x142: {  	v4 =	vperm.xlane v3, v0;
	_ =	sdelay $0x1  }
0x143: {  	v3 =	vperm.xlane v3, v2;
	v4 =	vadd.s32 v1, v4;
	_ =	sdelay $0x1  }
0x144: {  	v3 =	vadd.s32 v1, v3;
	_ =	sdelay $0x1  }
0x145: {  	s2 =	simm.s32 $0xA100  }
0x146: {  	[tilespmem:s2], [sflag:$0x1] =	stream.indirect_vreg.gather [hbm4b:s1+s3], $0x80, v4, vm0, $0xb8;
	[tilespmem:$0x10100] =	vst v63  }
0x147: {  	s8 =	simm.s32 $0xA900  }
0x148: {  	[tilespmem:s8], [sflag:$0x1] =	stream.indirect_vreg.gather [hbm4b:s1+s3], $0x80, v3, vm0, $0xb8;
	[tilespmem:$0x10100] =	vst v63  }
0x149: {  	v3 =	vld [tilespmem:$0xB0];
	_ =	sdelay $0x4  }
0x14a: {  	v27 =	vshll.u32 v3, $0x1  }
0x14b: {  	v3 =	vand.u32 $0x7, v3;
	v4 =	vand.u32 $0xFFFFFFF0, v27  }
0x14c: {  	v3 =	vor.u32 v3, v4  }
0x14d: {  	v4 =	vperm.xlane v3, v0;
	_ =	sdelay $0x1  }
0x14e: {  	v3 =	vperm.xlane v3, v2;
	v4 =	vadd.s32 v1, v4;
	_ =	sdelay $0x1  }
0x14f: {  	v3 =	vadd.s32 v1, v3;
	_ =	sdelay $0x1  }
0x150: {  	s17 =	simm.s32 $0xB100  }
0x151: {  	[tilespmem:s17], [sflag:$0x1] =	stream.indirect_vreg.gather [hbm4b:s1+s3], $0x80, v4, vm0, $0xb8;
	[tilespmem:$0x10100] =	vst v63  }
0x152: {  	s17 =	simm.s32 $0xB900  }
0x153: {  	[tilespmem:s17], [sflag:$0x1] =	stream.indirect_vreg.gather [hbm4b:s1+s3], $0x80, v3, vm0, $0xb8;
	[tilespmem:$0x10100] =	vst v63  }
0x154: {  	v3 =	vld [tilespmem:$0xC0];
	_ =	sdelay $0x4  }
0x155: {  	v28 =	vshll.u32 v3, $0x1  }
0x156: {  	v3 =	vand.u32 $0x7, v3;
	v4 =	vand.u32 $0xFFFFFFF0, v28  }
0x157: {  	v3 =	vor.u32 v3, v4  }
0x158: {  	v4 =	vperm.xlane v3, v0;
	_ =	sdelay $0x1  }
0x159: {  	v3 =	vperm.xlane v3, v2;
	v4 =	vadd.s32 v1, v4;
	_ =	sdelay $0x1  }
0x15a: {  	v3 =	vadd.s32 v1, v3;
	_ =	sdelay $0x1  }
0x15b: {  	s30 =	simm.s32 $0xC100  }
0x15c: {  	[tilespmem:s30], [sflag:$0x1] =	stream.indirect_vreg.gather [hbm4b:s1+s3], $0x80, v4, vm0, $0xb8;
	[tilespmem:$0x10100] =	vst v63  }
0x15d: {  	s23 =	simm.s32 $0xC900  }
0x15e: {  	[tilespmem:s23], [sflag:$0x1] =	stream.indirect_vreg.gather [hbm4b:s1+s3], $0x80, v3, vm0, $0xb8;
	[tilespmem:$0x10100] =	vst v63  }
0x15f: {  	v3 =	vld [tilespmem:$0xD0];
	_ =	sdelay $0x4  }
0x160: {  	v29 =	vshll.u32 v3, $0x1  }
0x161: {  	v3 =	vand.u32 $0x7, v3;
	v4 =	vand.u32 $0xFFFFFFF0, v29  }
0x162: {  	v3 =	vor.u32 v3, v4  }
0x163: {  	v4 =	vperm.xlane v3, v0;
	_ =	sdelay $0x1  }
0x164: {  	v3 =	vperm.xlane v3, v2;
	v4 =	vadd.s32 v1, v4;
	_ =	sdelay $0x1  }
0x165: {  	v3 =	vadd.s32 v1, v3;
	_ =	sdelay $0x1  }
0x166: {  	s31 =	simm.s32 $0xD100  }
0x167: {  	[tilespmem:s31], [sflag:$0x1] =	stream.indirect_vreg.gather [hbm4b:s1+s3], $0x80, v4, vm0, $0xb8;
	[tilespmem:$0x10100] =	vst v63  }
0x168: {  	s24 =	simm.s32 $0xD900  }
0x169: {  	[tilespmem:s24], [sflag:$0x1] =	stream.indirect_vreg.gather [hbm4b:s1+s3], $0x80, v3, vm0, $0xb8;
	[tilespmem:$0x10100] =	vst v63  }
0x16a: {  	v3 =	vld [tilespmem:$0xE0];
	_ =	sdelay $0x4  }
0x16b: {  	v30 =	vshll.u32 v3, $0x1  }
0x16c: {  	v3 =	vand.u32 $0x7, v3;
	v4 =	vand.u32 $0xFFFFFFF0, v30  }
0x16d: {  	v3 =	vor.u32 v3, v4  }
0x16e: {  	v4 =	vperm.xlane v3, v0;
	_ =	sdelay $0x1  }
0x16f: {  	v3 =	vperm.xlane v3, v2;
	v4 =	vadd.s32 v1, v4;
	_ =	sdelay $0x1  }
0x170: {  	v3 =	vadd.s32 v1, v3;
	_ =	sdelay $0x1  }
0x171: {  	s24 =	simm.s32 $0xE100  }
0x172: {  	[tilespmem:s24], [sflag:$0x1] =	stream.indirect_vreg.gather [hbm4b:s1+s3], $0x80, v4, vm0, $0xb8;
	[tilespmem:$0x10100] =	vst v63  }
0x173: {  	s25 =	simm.s32 $0xE900  }
0x174: {  	[tilespmem:s25], [sflag:$0x1] =	stream.indirect_vreg.gather [hbm4b:s1+s3], $0x80, v3, vm0, $0xb8;
	[tilespmem:$0x10100] =	vst v63  }
0x175: {  	v3 =	vld [tilespmem:$0xF0];
	_ =	sdelay $0x4  }
0x176: {  	v31 =	vshll.u32 v3, $0x1  }
0x177: {  	v3 =	vand.u32 $0x7, v3;
	v4 =	vand.u32 $0xFFFFFFF0, v31  }
0x178: {  	v3 =	vor.u32 v3, v4  }
0x179: {  	v4 =	vperm.xlane v3, v0;
	_ =	sdelay $0x1  }
0x17a: {  	v3 =	vperm.xlane v3, v2;
	v4 =	vadd.s32 v1, v4;
	_ =	sdelay $0x1  }
0x17b: {  	v3 =	vadd.s32 v1, v3;
	_ =	sdelay $0x1  }
0x17c: {  	s25 =	simm.s32 $0xF100  }
0x17d: {  	[tilespmem:s25], [sflag:$0x1] =	stream.indirect_vreg.gather [hbm4b:s1+s3], $0x80, v4, vm0, $0xb8;
	[tilespmem:$0x10100] =	vst v63  }
0x17e: {  	s26 =	simm.s32 $0xF900  }
0x17f: {  	[tilespmem:s26], [sflag:$0x1] =	stream.indirect_vreg.gather [hbm4b:s1+s3], $0x80, v3, vm0, $0xb8;
	[tilespmem:$0x10100] =	vst v63  }
0x180: {  	_ =	swait.ge [sflag:s12], $0x10000  }
0x181: {  	[sflag:s12] =	ssyncset.done $0x0  }
0x182: {  	s26 =	rddreg [dreg:$0x7];
	[sflag:s12] =	ssyncadd.s32 $0xFFFF0000  }
0x183: {  	[hbm4b:s26+s3] =	stream.linear.scatter [tilespmem:s28], [sflag:$0x2], $0x10000, $0x38;
	[tilespmem:$0x10100] =	vst v63  }
0x184: {  	_ =	swait.ge [sflag:s5], $0x10000  }
0x185: {  	[sflag:s5] =	ssyncset.done $0x0  }
0x186: {  	s23 =	rddreg [dreg:$0x8];
	[sflag:s5] =	ssyncadd.s32 $0xFFFF0000  }
0x187: {  	[tilespmem:s3], [sflag:$0x2] =	stream.linear.gather [hbm4b:s23+s3], $0x100, $0x38;
	[tilespmem:$0x10100] =	vst v63  }
0x188: {  	_ =	swait.ge [sflag:s5], $0x100  }
0x189: {  	[sflag:s5] =	ssyncset.done $0x0  }
0x18a: {  	[sflag:s5] =	ssyncadd.s32 $0xFFFFFF00  }
0x18b: {  	v3 =	vld [tilespmem:$0x0];
	_ =	sdelay $0x4  }
0x18c: {  	v32 =	vshll.u32 v3, $0x1  }
0x18d: {  	v3 =	vand.u32 $0x7, v3;
	v4 =	vand.u32 $0xFFFFFFF0, v32  }
0x18e: {  	v3 =	vor.u32 v3, v4  }
0x18f: {  	v4 =	vperm.xlane v3, v0;
	_ =	sdelay $0x1  }
0x190: {  	v3 =	vperm.xlane v3, v2;
	v4 =	vadd.s32 v1, v4;
	_ =	sdelay $0x1  }
0x191: {  	v3 =	vadd.s32 v1, v3;
	_ =	sdelay $0x2  }
0x192: {  	[tilespmem:s28], [sflag:$0x1] =	stream.indirect_vreg.gather [hbm4b:s1+s3], $0x80, v4, vm0, $0xb8;
	[tilespmem:$0x10100] =	vst v63  }
0x193: {  	s25 =	simm.s32 $0x900  }
0x194: {  	[tilespmem:s25], [sflag:$0x1] =	stream.indirect_vreg.gather [hbm4b:s1+s3], $0x80, v3, vm0, $0xb8;
	[tilespmem:$0x10100] =	vst v63  }
0x195: {  	v3 =	vld [tilespmem:$0x10];
	_ =	sdelay $0x4  }
0x196: {  	v33 =	vshll.u32 v3, $0x1  }
0x197: {  	v3 =	vand.u32 $0x7, v3;
	v4 =	vand.u32 $0xFFFFFFF0, v33  }
0x198: {  	v3 =	vor.u32 v3, v4  }
0x199: {  	v4 =	vperm.xlane v3, v0;
	_ =	sdelay $0x1  }
0x19a: {  	v3 =	vperm.xlane v3, v2;
	v4 =	vadd.s32 v1, v4;
	_ =	sdelay $0x1  }
0x19b: {  	v3 =	vadd.s32 v1, v3;
	_ =	sdelay $0x1  }
0x19c: {  	s26 =	simm.s32 $0x1100  }
0x19d: {  	[tilespmem:s26], [sflag:$0x1] =	stream.indirect_vreg.gather [hbm4b:s1+s3], $0x80, v4, vm0, $0xb8;
	[tilespmem:$0x10100] =	vst v63  }
0x19e: {  	s23 =	simm.s32 $0x1900  }
0x19f: {  	[tilespmem:s23], [sflag:$0x1] =	stream.indirect_vreg.gather [hbm4b:s1+s3], $0x80, v3, vm0, $0xb8;
	[tilespmem:$0x10100] =	vst v63  }
0x1a0: {  	v3 =	vld [tilespmem:$0x20];
	_ =	sdelay $0x4  }
0x1a1: {  	v34 =	vshll.u32 v3, $0x1  }
0x1a2: {  	v3 =	vand.u32 $0x7, v3;
	v4 =	vand.u32 $0xFFFFFFF0, v34  }
0x1a3: {  	v3 =	vor.u32 v3, v4  }
0x1a4: {  	v4 =	vperm.xlane v3, v0;
	_ =	sdelay $0x1  }
0x1a5: {  	v3 =	vperm.xlane v3, v2;
	v4 =	vadd.s32 v1, v4;
	_ =	sdelay $0x1  }
0x1a6: {  	v3 =	vadd.s32 v1, v3;
	_ =	sdelay $0x2  }
0x1a7: {  	[tilespmem:s6], [sflag:$0x1] =	stream.indirect_vreg.gather [hbm4b:s1+s3], $0x80, v4, vm0, $0xb8;
	[tilespmem:$0x10100] =	vst v63  }
0x1a8: {  	_ = 	snop  }
0x1a9: {  	[tilespmem:s9], [sflag:$0x1] =	stream.indirect_vreg.gather [hbm4b:s1+s3], $0x80, v3, vm0, $0xb8;
	[tilespmem:$0x10100] =	vst v63  }
0x1aa: {  	v3 =	vld [tilespmem:$0x30];
	_ =	sdelay $0x4  }
0x1ab: {  	v35 =	vshll.u32 v3, $0x1  }
0x1ac: {  	v3 =	vand.u32 $0x7, v3;
	v4 =	vand.u32 $0xFFFFFFF0, v35  }
0x1ad: {  	v3 =	vor.u32 v3, v4  }
0x1ae: {  	v4 =	vperm.xlane v3, v0;
	_ =	sdelay $0x1  }
0x1af: {  	v3 =	vperm.xlane v3, v2;
	v4 =	vadd.s32 v1, v4;
	_ =	sdelay $0x1  }
0x1b0: {  	v3 =	vadd.s32 v1, v3;
	_ =	sdelay $0x1  }
0x1b1: {  	s25 =	simm.s32 $0x3100  }
0x1b2: {  	[tilespmem:s25], [sflag:$0x1] =	stream.indirect_vreg.gather [hbm4b:s1+s3], $0x80, v4, vm0, $0xb8;
	[tilespmem:$0x10100] =	vst v63  }
0x1b3: {  	s26 =	simm.s32 $0x3900  }
0x1b4: {  	[tilespmem:s26], [sflag:$0x1] =	stream.indirect_vreg.gather [hbm4b:s1+s3], $0x80, v3, vm0, $0xb8;
	[tilespmem:$0x10100] =	vst v63  }
0x1b5: {  	v3 =	vld [tilespmem:$0x40];
	_ =	sdelay $0x4  }
0x1b6: {  	v36 =	vshll.u32 v3, $0x1  }
0x1b7: {  	v3 =	vand.u32 $0x7, v3;
	v4 =	vand.u32 $0xFFFFFFF0, v36  }
0x1b8: {  	v3 =	vor.u32 v3, v4  }
0x1b9: {  	v4 =	vperm.xlane v3, v0;
	_ =	sdelay $0x1  }
0x1ba: {  	v3 =	vperm.xlane v3, v2;
	v4 =	vadd.s32 v1, v4;
	_ =	sdelay $0x1  }
0x1bb: {  	v3 =	vadd.s32 v1, v3;
	_ =	sdelay $0x2  }
0x1bc: {  	[tilespmem:s10], [sflag:$0x1] =	stream.indirect_vreg.gather [hbm4b:s1+s3], $0x80, v4, vm0, $0xb8;
	[tilespmem:$0x10100] =	vst v63  }
0x1bd: {  	_ = 	snop  }
0x1be: {  	[tilespmem:s11], [sflag:$0x1] =	stream.indirect_vreg.gather [hbm4b:s1+s3], $0x80, v3, vm0, $0xb8;
	[tilespmem:$0x10100] =	vst v63  }
0x1bf: {  	v3 =	vld [tilespmem:$0x50];
	_ =	sdelay $0x4  }
0x1c0: {  	v37 =	vshll.u32 v3, $0x1  }
0x1c1: {  	v3 =	vand.u32 $0x7, v3;
	v4 =	vand.u32 $0xFFFFFFF0, v37  }
0x1c2: {  	v3 =	vor.u32 v3, v4  }
0x1c3: {  	v4 =	vperm.xlane v3, v0;
	_ =	sdelay $0x1  }
0x1c4: {  	v3 =	vperm.xlane v3, v2;
	v4 =	vadd.s32 v1, v4;
	_ =	sdelay $0x1  }
0x1c5: {  	v3 =	vadd.s32 v1, v3;
	_ =	sdelay $0x2  }
0x1c6: {  	[tilespmem:s14], [sflag:$0x1] =	stream.indirect_vreg.gather [hbm4b:s1+s3], $0x80, v4, vm0, $0xb8;
	[tilespmem:$0x10100] =	vst v63  }
0x1c7: {  	_ = 	snop  }
0x1c8: {  	[tilespmem:s15], [sflag:$0x1] =	stream.indirect_vreg.gather [hbm4b:s1+s3], $0x80, v3, vm0, $0xb8;
	[tilespmem:$0x10100] =	vst v63  }
0x1c9: {  	v3 =	vld [tilespmem:$0x60];
	_ =	sdelay $0x4  }
0x1ca: {  	v38 =	vshll.u32 v3, $0x1  }
0x1cb: {  	v3 =	vand.u32 $0x7, v3;
	v4 =	vand.u32 $0xFFFFFFF0, v38  }
0x1cc: {  	v3 =	vor.u32 v3, v4  }
0x1cd: {  	v4 =	vperm.xlane v3, v0;
	_ =	sdelay $0x1  }
0x1ce: {  	v3 =	vperm.xlane v3, v2;
	v4 =	vadd.s32 v1, v4;
	_ =	sdelay $0x1  }
0x1cf: {  	v3 =	vadd.s32 v1, v3;
	_ =	sdelay $0x2  }
0x1d0: {  	[tilespmem:s16], [sflag:$0x1] =	stream.indirect_vreg.gather [hbm4b:s1+s3], $0x80, v4, vm0, $0xb8;
	[tilespmem:$0x10100] =	vst v63  }
0x1d1: {  	_ = 	snop  }
0x1d2: {  	[tilespmem:s18], [sflag:$0x1] =	stream.indirect_vreg.gather [hbm4b:s1+s3], $0x80, v3, vm0, $0xb8;
	[tilespmem:$0x10100] =	vst v63  }
0x1d3: {  	v3 =	vld [tilespmem:$0x70];
	_ =	sdelay $0x4  }
0x1d4: {  	v39 =	vshll.u32 v3, $0x1  }
0x1d5: {  	v3 =	vand.u32 $0x7, v3;
	v4 =	vand.u32 $0xFFFFFFF0, v39  }
0x1d6: {  	v3 =	vor.u32 v3, v4  }
0x1d7: {  	v4 =	vperm.xlane v3, v0;
	_ =	sdelay $0x1  }
0x1d8: {  	v3 =	vperm.xlane v3, v2;
	v4 =	vadd.s32 v1, v4;
	_ =	sdelay $0x1  }
0x1d9: {  	v3 =	vadd.s32 v1, v3;
	_ =	sdelay $0x2  }
0x1da: {  	[tilespmem:s19], [sflag:$0x1] =	stream.indirect_vreg.gather [hbm4b:s1+s3], $0x80, v4, vm0, $0xb8;
	[tilespmem:$0x10100] =	vst v63  }
0x1db: {  	_ = 	snop  }
0x1dc: {  	[tilespmem:s20], [sflag:$0x1] =	stream.indirect_vreg.gather [hbm4b:s1+s3], $0x80, v3, vm0, $0xb8;
	[tilespmem:$0x10100] =	vst v63  }
0x1dd: {  	v3 =	vld [tilespmem:$0x80];
	_ =	sdelay $0x4  }
0x1de: {  	v40 =	vshll.u32 v3, $0x1  }
0x1df: {  	v3 =	vand.u32 $0x7, v3;
	v4 =	vand.u32 $0xFFFFFFF0, v40  }
0x1e0: {  	v3 =	vor.u32 v3, v4  }
0x1e1: {  	v4 =	vperm.xlane v3, v0;
	_ =	sdelay $0x1  }
0x1e2: {  	v3 =	vperm.xlane v3, v2;
	v4 =	vadd.s32 v1, v4;
	_ =	sdelay $0x1  }
0x1e3: {  	v3 =	vadd.s32 v1, v3;
	_ =	sdelay $0x2  }
0x1e4: {  	[tilespmem:s21], [sflag:$0x1] =	stream.indirect_vreg.gather [hbm4b:s1+s3], $0x80, v4, vm0, $0xb8;
	[tilespmem:$0x10100] =	vst v63  }
0x1e5: {  	_ = 	snop  }
0x1e6: {  	[tilespmem:s22], [sflag:$0x1] =	stream.indirect_vreg.gather [hbm4b:s1+s3], $0x80, v3, vm0, $0xb8;
	[tilespmem:$0x10100] =	vst v63  }
0x1e7: {  	v3 =	vld [tilespmem:$0x90];
	_ =	sdelay $0x4  }
0x1e8: {  	v41 =	vshll.u32 v3, $0x1  }
0x1e9: {  	v3 =	vand.u32 $0x7, v3;
	v4 =	vand.u32 $0xFFFFFFF0, v41  }
0x1ea: {  	v3 =	vor.u32 v3, v4  }
0x1eb: {  	v4 =	vperm.xlane v3, v0;
	_ =	sdelay $0x1  }
0x1ec: {  	v3 =	vperm.xlane v3, v2;
	v4 =	vadd.s32 v1, v4;
	_ =	sdelay $0x1  }
0x1ed: {  	v3 =	vadd.s32 v1, v3;
	_ =	sdelay $0x2  }
0x1ee: {  	[tilespmem:s0], [sflag:$0x1] =	stream.indirect_vreg.gather [hbm4b:s1+s3], $0x80, v4, vm0, $0xb8;
	[tilespmem:$0x10100] =	vst v63  }
0x1ef: {  	_ = 	snop  }
0x1f0: {  	[tilespmem:s7], [sflag:$0x1] =	stream.indirect_vreg.gather [hbm4b:s1+s3], $0x80, v3, vm0, $0xb8;
	[tilespmem:$0x10100] =	vst v63  }
0x1f1: {  	v3 =	vld [tilespmem:$0xA0];
	_ =	sdelay $0x4  }
0x1f2: {  	v42 =	vshll.u32 v3, $0x1  }
0x1f3: {  	v3 =	vand.u32 $0x7, v3;
	v4 =	vand.u32 $0xFFFFFFF0, v42  }
0x1f4: {  	v3 =	vor.u32 v3, v4  }
0x1f5: {  	v4 =	vperm.xlane v3, v0;
	_ =	sdelay $0x1  }
0x1f6: {  	v3 =	vperm.xlane v3, v2;
	v4 =	vadd.s32 v1, v4;
	_ =	sdelay $0x1  }
0x1f7: {  	v3 =	vadd.s32 v1, v3;
	_ =	sdelay $0x2  }
0x1f8: {  	[tilespmem:s2], [sflag:$0x1] =	stream.indirect_vreg.gather [hbm4b:s1+s3], $0x80, v4, vm0, $0xb8;
	[tilespmem:$0x10100] =	vst v63  }
0x1f9: {  	_ = 	snop  }
0x1fa: {  	[tilespmem:s8], [sflag:$0x1] =	stream.indirect_vreg.gather [hbm4b:s1+s3], $0x80, v3, vm0, $0xb8;
	[tilespmem:$0x10100] =	vst v63  }
0x1fb: {  	v3 =	vld [tilespmem:$0xB0];
	_ =	sdelay $0x4  }
0x1fc: {  	v43 =	vshll.u32 v3, $0x1  }
0x1fd: {  	v3 =	vand.u32 $0x7, v3;
	v4 =	vand.u32 $0xFFFFFFF0, v43  }
0x1fe: {  	v3 =	vor.u32 v3, v4  }
0x1ff: {  	v4 =	vperm.xlane v3, v0;
	_ =	sdelay $0x1  }
0x200: {  	v3 =	vperm.xlane v3, v2;
	v4 =	vadd.s32 v1, v4;
	_ =	sdelay $0x1  }
0x201: {  	v3 =	vadd.s32 v1, v3;
	_ =	sdelay $0x1  }
0x202: {  	s29 =	simm.s32 $0xB100  }
0x203: {  	[tilespmem:s29], [sflag:$0x1] =	stream.indirect_vreg.gather [hbm4b:s1+s3], $0x80, v4, vm0, $0xb8;
	[tilespmem:$0x10100] =	vst v63  }
0x204: {  	_ = 	snop  }
0x205: {  	[tilespmem:s17], [sflag:$0x1] =	stream.indirect_vreg.gather [hbm4b:s1+s3], $0x80, v3, vm0, $0xb8;
	[tilespmem:$0x10100] =	vst v63  }
0x206: {  	v3 =	vld [tilespmem:$0xC0];
	_ =	sdelay $0x4  }
0x207: {  	v44 =	vshll.u32 v3, $0x1  }
0x208: {  	v3 =	vand.u32 $0x7, v3;
	v4 =	vand.u32 $0xFFFFFFF0, v44  }
0x209: {  	v3 =	vor.u32 v3, v4  }
0x20a: {  	v4 =	vperm.xlane v3, v0;
	_ =	sdelay $0x1  }
0x20b: {  	v3 =	vperm.xlane v3, v2;
	v4 =	vadd.s32 v1, v4;
	_ =	sdelay $0x1  }
0x20c: {  	v3 =	vadd.s32 v1, v3;
	_ =	sdelay $0x1  }
0x20d: {  	s29 =	simm.s32 $0xC100  }
0x20e: {  	[tilespmem:s29], [sflag:$0x1] =	stream.indirect_vreg.gather [hbm4b:s1+s3], $0x80, v4, vm0, $0xb8;
	[tilespmem:$0x10100] =	vst v63  }
0x20f: {  	s30 =	simm.s32 $0xC900  }
0x210: {  	[tilespmem:s30], [sflag:$0x1] =	stream.indirect_vreg.gather [hbm4b:s1+s3], $0x80, v3, vm0, $0xb8;
	[tilespmem:$0x10100] =	vst v63  }
0x211: {  	v3 =	vld [tilespmem:$0xD0];
	_ =	sdelay $0x4  }
0x212: {  	v45 =	vshll.u32 v3, $0x1  }
0x213: {  	v3 =	vand.u32 $0x7, v3;
	v4 =	vand.u32 $0xFFFFFFF0, v45  }
0x214: {  	v3 =	vor.u32 v3, v4  }
0x215: {  	v4 =	vperm.xlane v3, v0;
	_ =	sdelay $0x1  }
0x216: {  	v3 =	vperm.xlane v3, v2;
	v4 =	vadd.s32 v1, v4;
	_ =	sdelay $0x1  }
0x217: {  	v3 =	vadd.s32 v1, v3;
	_ =	sdelay $0x1  }
0x218: {  	s31 =	simm.s32 $0xD100  }
0x219: {  	[tilespmem:s31], [sflag:$0x1] =	stream.indirect_vreg.gather [hbm4b:s1+s3], $0x80, v4, vm0, $0xb8;
	[tilespmem:$0x10100] =	vst v63  }
0x21a: {  	s17 =	simm.s32 $0xD900  }
0x21b: {  	[tilespmem:s17], [sflag:$0x1] =	stream.indirect_vreg.gather [hbm4b:s1+s3], $0x80, v3, vm0, $0xb8;
	[tilespmem:$0x10100] =	vst v63  }
0x21c: {  	v3 =	vld [tilespmem:$0xE0];
	_ =	sdelay $0x4  }
0x21d: {  	v46 =	vshll.u32 v3, $0x1  }
0x21e: {  	v3 =	vand.u32 $0x7, v3;
	v4 =	vand.u32 $0xFFFFFFF0, v46  }
0x21f: {  	v3 =	vor.u32 v3, v4  }
0x220: {  	v4 =	vperm.xlane v3, v0;
	_ =	sdelay $0x1  }
0x221: {  	v3 =	vperm.xlane v3, v2;
	v4 =	vadd.s32 v1, v4;
	_ =	sdelay $0x1  }
0x222: {  	v3 =	vadd.s32 v1, v3;
	_ =	sdelay $0x1  }
0x223: {  	s31 =	simm.s32 $0xE100  }
0x224: {  	[tilespmem:s31], [sflag:$0x1] =	stream.indirect_vreg.gather [hbm4b:s1+s3], $0x80, v4, vm0, $0xb8;
	[tilespmem:$0x10100] =	vst v63  }
0x225: {  	s17 =	simm.s32 $0xE900  }
0x226: {  	[tilespmem:s17], [sflag:$0x1] =	stream.indirect_vreg.gather [hbm4b:s1+s3], $0x80, v3, vm0, $0xb8;
	[tilespmem:$0x10100] =	vst v63  }
0x227: {  	v3 =	vld [tilespmem:$0xF0];
	_ =	sdelay $0x4  }
0x228: {  	v47 =	vshll.u32 v3, $0x1  }
0x229: {  	v3 =	vand.u32 $0x7, v3;
	v4 =	vand.u32 $0xFFFFFFF0, v47  }
0x22a: {  	v3 =	vor.u32 v3, v4  }
0x22b: {  	v4 =	vperm.xlane v3, v0;
	_ =	sdelay $0x1  }
0x22c: {  	v3 =	vperm.xlane v3, v2;
	v4 =	vadd.s32 v1, v4;
	_ =	sdelay $0x1  }
0x22d: {  	v3 =	vadd.s32 v1, v3;
	_ =	sdelay $0x1  }
0x22e: {  	s24 =	simm.s32 $0xF100  }
0x22f: {  	[tilespmem:s24], [sflag:$0x1] =	stream.indirect_vreg.gather [hbm4b:s1+s3], $0x80, v4, vm0, $0xb8;
	[tilespmem:$0x10100] =	vst v63  }
0x230: {  	s24 =	simm.s32 $0xF900  }
0x231: {  	[tilespmem:s24], [sflag:$0x1] =	stream.indirect_vreg.gather [hbm4b:s1+s3], $0x80, v3, vm0, $0xb8;
	[tilespmem:$0x10100] =	vst v63  }
0x232: {  	_ =	swait.ge [sflag:s12], $0x10000  }
0x233: {  	[sflag:s12] =	ssyncset.done $0x0  }
0x234: {  	s13 =	rddreg [dreg:$0x9];
	[sflag:s12] =	ssyncadd.s32 $0xFFFF0000  }
0x235: {  	[hbm4b:s13+s3] =	stream.linear.scatter [tilespmem:s28], [sflag:$0x2], $0x10000, $0x38;
	[tilespmem:$0x10100] =	vst v63  }
0x236: {  	_ =	swait.ge [sflag:s5], $0x10000  }
0x237: {  	[sflag:s5] =	ssyncset.done $0x0  }
0x238: {  	s13 =	rddreg [dreg:$0xa];
	[sflag:s5] =	ssyncadd.s32 $0xFFFF0000  }
0x239: {  	[tilespmem:s3], [sflag:$0x2] =	stream.linear.gather [hbm4b:s13+s3], $0x100, $0x38;
	[tilespmem:$0x10100] =	vst v63  }
0x23a: {  	_ =	swait.ge [sflag:s5], $0x100  }
0x23b: {  	[sflag:s5] =	ssyncset.done $0x0  }
0x23c: {  	[sflag:s5] =	ssyncadd.s32 $0xFFFFFF00  }
0x23d: {  	v3 =	vld [tilespmem:$0x0];
	_ =	sdelay $0x4  }
0x23e: {  	v48 =	vshll.u32 v3, $0x1  }
0x23f: {  	v3 =	vand.u32 $0x7, v3;
	v4 =	vand.u32 $0xFFFFFFF0, v48  }
0x240: {  	v3 =	vor.u32 v3, v4  }
0x241: {  	v4 =	vperm.xlane v3, v0;
	_ =	sdelay $0x1  }
0x242: {  	v3 =	vperm.xlane v3, v2;
	v4 =	vadd.s32 v1, v4;
	_ =	sdelay $0x1  }
0x243: {  	v3 =	vadd.s32 v1, v3;
	_ =	sdelay $0x2  }
0x244: {  	[tilespmem:s28], [sflag:$0x1] =	stream.indirect_vreg.gather [hbm4b:s1+s3], $0x80, v4, vm0, $0xb8;
	[tilespmem:$0x10100] =	vst v63  }
0x245: {  	s13 =	simm.s32 $0x900  }
0x246: {  	[tilespmem:s13], [sflag:$0x1] =	stream.indirect_vreg.gather [hbm4b:s1+s3], $0x80, v3, vm0, $0xb8;
	[tilespmem:$0x10100] =	vst v63  }
0x247: {  	v3 =	vld [tilespmem:$0x10];
	_ =	sdelay $0x4  }
0x248: {  	v49 =	vshll.u32 v3, $0x1  }
0x249: {  	v3 =	vand.u32 $0x7, v3;
	v4 =	vand.u32 $0xFFFFFFF0, v49  }
0x24a: {  	v3 =	vor.u32 v3, v4  }
0x24b: {  	v4 =	vperm.xlane v3, v0;
	_ =	sdelay $0x1  }
0x24c: {  	v3 =	vperm.xlane v3, v2;
	v4 =	vadd.s32 v1, v4;
	_ =	sdelay $0x1  }
0x24d: {  	v3 =	vadd.s32 v1, v3;
	_ =	sdelay $0x1  }
0x24e: {  	s13 =	simm.s32 $0x1100  }
0x24f: {  	[tilespmem:s13], [sflag:$0x1] =	stream.indirect_vreg.gather [hbm4b:s1+s3], $0x80, v4, vm0, $0xb8;
	[tilespmem:$0x10100] =	vst v63  }
0x250: {  	s13 =	simm.s32 $0x1900  }
0x251: {  	[tilespmem:s13], [sflag:$0x1] =	stream.indirect_vreg.gather [hbm4b:s1+s3], $0x80, v3, vm0, $0xb8;
	[tilespmem:$0x10100] =	vst v63  }
0x252: {  	v3 =	vld [tilespmem:$0x20];
	_ =	sdelay $0x4  }
0x253: {  	v50 =	vshll.u32 v3, $0x1  }
0x254: {  	v3 =	vand.u32 $0x7, v3;
	v4 =	vand.u32 $0xFFFFFFF0, v50  }
0x255: {  	v3 =	vor.u32 v3, v4  }
0x256: {  	v4 =	vperm.xlane v3, v0;
	_ =	sdelay $0x1  }
0x257: {  	v3 =	vperm.xlane v3, v2;
	v4 =	vadd.s32 v1, v4;
	_ =	sdelay $0x1  }
0x258: {  	v3 =	vadd.s32 v1, v3;
	_ =	sdelay $0x1  }
0x259: {  	s6 =	simm.s32 $0x2100  }
0x25a: {  	[tilespmem:s6], [sflag:$0x1] =	stream.indirect_vreg.gather [hbm4b:s1+s3], $0x80, v4, vm0, $0xb8;
	[tilespmem:$0x10100] =	vst v63  }
0x25b: {  	s9 =	simm.s32 $0x2900  }
0x25c: {  	[tilespmem:s9], [sflag:$0x1] =	stream.indirect_vreg.gather [hbm4b:s1+s3], $0x80, v3, vm0, $0xb8;
	[tilespmem:$0x10100] =	vst v63  }
0x25d: {  	v3 =	vld [tilespmem:$0x30];
	_ =	sdelay $0x4  }
0x25e: {  	v51 =	vshll.u32 v3, $0x1  }
0x25f: {  	v3 =	vand.u32 $0x7, v3;
	v4 =	vand.u32 $0xFFFFFFF0, v51  }
0x260: {  	v3 =	vor.u32 v3, v4  }
0x261: {  	v4 =	vperm.xlane v3, v0;
	_ =	sdelay $0x1  }
0x262: {  	v3 =	vperm.xlane v3, v2;
	v4 =	vadd.s32 v1, v4;
	_ =	sdelay $0x1  }
0x263: {  	v3 =	vadd.s32 v1, v3;
	_ =	sdelay $0x1  }
0x264: {  	s9 =	simm.s32 $0x3100  }
0x265: {  	[tilespmem:s9], [sflag:$0x1] =	stream.indirect_vreg.gather [hbm4b:s1+s3], $0x80, v4, vm0, $0xb8;
	[tilespmem:$0x10100] =	vst v63  }
0x266: {  	s13 =	simm.s32 $0x3900  }
0x267: {  	[tilespmem:s13], [sflag:$0x1] =	stream.indirect_vreg.gather [hbm4b:s1+s3], $0x80, v3, vm0, $0xb8;
	[tilespmem:$0x10100] =	vst v63  }
0x268: {  	v3 =	vld [tilespmem:$0x40];
	_ =	sdelay $0x4  }
0x269: {  	v52 =	vshll.u32 v3, $0x1  }
0x26a: {  	v3 =	vand.u32 $0x7, v3;
	v4 =	vand.u32 $0xFFFFFFF0, v52  }
0x26b: {  	v3 =	vor.u32 v3, v4  }
0x26c: {  	v4 =	vperm.xlane v3, v0;
	_ =	sdelay $0x1  }
0x26d: {  	v3 =	vperm.xlane v3, v2;
	v4 =	vadd.s32 v1, v4;
	_ =	sdelay $0x1  }
0x26e: {  	v3 =	vadd.s32 v1, v3;
	_ =	sdelay $0x1  }
0x26f: {  	s26 =	simm.s32 $0x4100  }
0x270: {  	[tilespmem:s26], [sflag:$0x1] =	stream.indirect_vreg.gather [hbm4b:s1+s3], $0x80, v4, vm0, $0xb8;
	[tilespmem:$0x10100] =	vst v63  }
0x271: {  	s11 =	simm.s32 $0x4900  }
0x272: {  	[tilespmem:s11], [sflag:$0x1] =	stream.indirect_vreg.gather [hbm4b:s1+s3], $0x80, v3, vm0, $0xb8;
	[tilespmem:$0x10100] =	vst v63  }
0x273: {  	v3 =	vld [tilespmem:$0x50];
	_ =	sdelay $0x4  }
0x274: {  	v53 =	vshll.u32 v3, $0x1  }
0x275: {  	v3 =	vand.u32 $0x7, v3;
	v4 =	vand.u32 $0xFFFFFFF0, v53  }
0x276: {  	v3 =	vor.u32 v3, v4  }
0x277: {  	v4 =	vperm.xlane v3, v0;
	_ =	sdelay $0x1  }
0x278: {  	v3 =	vperm.xlane v3, v2;
	v4 =	vadd.s32 v1, v4;
	_ =	sdelay $0x1  }
0x279: {  	v3 =	vadd.s32 v1, v3;
	_ =	sdelay $0x1  }
0x27a: {  	s14 =	simm.s32 $0x5100  }
0x27b: {  	[tilespmem:s14], [sflag:$0x1] =	stream.indirect_vreg.gather [hbm4b:s1+s3], $0x80, v4, vm0, $0xb8;
	[tilespmem:$0x10100] =	vst v63  }
0x27c: {  	s15 =	simm.s32 $0x5900  }
0x27d: {  	[tilespmem:s15], [sflag:$0x1] =	stream.indirect_vreg.gather [hbm4b:s1+s3], $0x80, v3, vm0, $0xb8;
	[tilespmem:$0x10100] =	vst v63  }
0x27e: {  	v3 =	vld [tilespmem:$0x60];
	_ =	sdelay $0x4  }
0x27f: {  	v54 =	vshll.u32 v3, $0x1  }
0x280: {  	v3 =	vand.u32 $0x7, v3;
	v4 =	vand.u32 $0xFFFFFFF0, v54  }
0x281: {  	v3 =	vor.u32 v3, v4  }
0x282: {  	v4 =	vperm.xlane v3, v0;
	_ =	sdelay $0x1  }
0x283: {  	v3 =	vperm.xlane v3, v2;
	v4 =	vadd.s32 v1, v4;
	_ =	sdelay $0x1  }
0x284: {  	v3 =	vadd.s32 v1, v3;
	_ =	sdelay $0x1  }
0x285: {  	s16 =	simm.s32 $0x6100  }
0x286: {  	[tilespmem:s16], [sflag:$0x1] =	stream.indirect_vreg.gather [hbm4b:s1+s3], $0x80, v4, vm0, $0xb8;
	[tilespmem:$0x10100] =	vst v63  }
0x287: {  	s18 =	simm.s32 $0x6900  }
0x288: {  	[tilespmem:s18], [sflag:$0x1] =	stream.indirect_vreg.gather [hbm4b:s1+s3], $0x80, v3, vm0, $0xb8;
	[tilespmem:$0x10100] =	vst v63  }
0x289: {  	v3 =	vld [tilespmem:$0x70];
	_ =	sdelay $0x4  }
0x28a: {  	v55 =	vshll.u32 v3, $0x1  }
0x28b: {  	v3 =	vand.u32 $0x7, v3;
	v4 =	vand.u32 $0xFFFFFFF0, v55  }
0x28c: {  	v3 =	vor.u32 v3, v4  }
0x28d: {  	v4 =	vperm.xlane v3, v0;
	_ =	sdelay $0x1  }
0x28e: {  	v3 =	vperm.xlane v3, v2;
	v4 =	vadd.s32 v1, v4;
	_ =	sdelay $0x1  }
0x28f: {  	v3 =	vadd.s32 v1, v3;
	_ =	sdelay $0x1  }
0x290: {  	s19 =	simm.s32 $0x7100  }
0x291: {  	[tilespmem:s19], [sflag:$0x1] =	stream.indirect_vreg.gather [hbm4b:s1+s3], $0x80, v4, vm0, $0xb8;
	[tilespmem:$0x10100] =	vst v63  }
0x292: {  	s20 =	simm.s32 $0x7900  }
0x293: {  	[tilespmem:s20], [sflag:$0x1] =	stream.indirect_vreg.gather [hbm4b:s1+s3], $0x80, v3, vm0, $0xb8;
	[tilespmem:$0x10100] =	vst v63  }
0x294: {  	v3 =	vld [tilespmem:$0x80];
	_ =	sdelay $0x4  }
0x295: {  	v56 =	vshll.u32 v3, $0x1  }
0x296: {  	v3 =	vand.u32 $0x7, v3;
	v4 =	vand.u32 $0xFFFFFFF0, v56  }
0x297: {  	v3 =	vor.u32 v3, v4  }
0x298: {  	v4 =	vperm.xlane v3, v0;
	_ =	sdelay $0x1  }
0x299: {  	v3 =	vperm.xlane v3, v2;
	v4 =	vadd.s32 v1, v4;
	_ =	sdelay $0x1  }
0x29a: {  	v3 =	vadd.s32 v1, v3;
	_ =	sdelay $0x1  }
0x29b: {  	s21 =	simm.s32 $0x8100  }
0x29c: {  	[tilespmem:s21], [sflag:$0x1] =	stream.indirect_vreg.gather [hbm4b:s1+s3], $0x80, v4, vm0, $0xb8;
	[tilespmem:$0x10100] =	vst v63  }
0x29d: {  	s22 =	simm.s32 $0x8900  }
0x29e: {  	[tilespmem:s22], [sflag:$0x1] =	stream.indirect_vreg.gather [hbm4b:s1+s3], $0x80, v3, vm0, $0xb8;
	[tilespmem:$0x10100] =	vst v63  }
0x29f: {  	v3 =	vld [tilespmem:$0x90];
	_ =	sdelay $0x4  }
0x2a0: {  	v57 =	vshll.u32 v3, $0x1  }
0x2a1: {  	v3 =	vand.u32 $0x7, v3;
	v4 =	vand.u32 $0xFFFFFFF0, v57  }
0x2a2: {  	v3 =	vor.u32 v3, v4  }
0x2a3: {  	v4 =	vperm.xlane v3, v0;
	_ =	sdelay $0x1  }
0x2a4: {  	v3 =	vperm.xlane v3, v2;
	v4 =	vadd.s32 v1, v4;
	_ =	sdelay $0x1  }
0x2a5: {  	v3 =	vadd.s32 v1, v3;
	_ =	sdelay $0x1  }
0x2a6: {  	s0 =	simm.s32 $0x9100  }
0x2a7: {  	[tilespmem:s0], [sflag:$0x1] =	stream.indirect_vreg.gather [hbm4b:s1+s3], $0x80, v4, vm0, $0xb8;
	[tilespmem:$0x10100] =	vst v63  }
0x2a8: {  	s7 =	simm.s32 $0x9900  }
0x2a9: {  	[tilespmem:s7], [sflag:$0x1] =	stream.indirect_vreg.gather [hbm4b:s1+s3], $0x80, v3, vm0, $0xb8;
	[tilespmem:$0x10100] =	vst v63  }
0x2aa: {  	v3 =	vld [tilespmem:$0xA0];
	_ =	sdelay $0x4  }
0x2ab: {  	v58 =	vshll.u32 v3, $0x1  }
0x2ac: {  	v3 =	vand.u32 $0x7, v3;
	v4 =	vand.u32 $0xFFFFFFF0, v58  }
0x2ad: {  	v3 =	vor.u32 v3, v4  }
0x2ae: {  	v4 =	vperm.xlane v3, v0;
	_ =	sdelay $0x1  }
0x2af: {  	v3 =	vperm.xlane v3, v2;
	v4 =	vadd.s32 v1, v4;
	_ =	sdelay $0x1  }
0x2b0: {  	v3 =	vadd.s32 v1, v3;
	_ =	sdelay $0x1  }
0x2b1: {  	s2 =	simm.s32 $0xA100  }
0x2b2: {  	[tilespmem:s2], [sflag:$0x1] =	stream.indirect_vreg.gather [hbm4b:s1+s3], $0x80, v4, vm0, $0xb8;
	[tilespmem:$0x10100] =	vst v63  }
0x2b3: {  	s8 =	simm.s32 $0xA900  }
0x2b4: {  	[tilespmem:s8], [sflag:$0x1] =	stream.indirect_vreg.gather [hbm4b:s1+s3], $0x80, v3, vm0, $0xb8;
	[tilespmem:$0x10100] =	vst v63  }
0x2b5: {  	v3 =	vld [tilespmem:$0xB0];
	_ =	sdelay $0x4  }
0x2b6: {  	v59 =	vshll.u32 v3, $0x1  }
0x2b7: {  	v3 =	vand.u32 $0x7, v3;
	v4 =	vand.u32 $0xFFFFFFF0, v59  }
0x2b8: {  	v3 =	vor.u32 v3, v4  }
0x2b9: {  	v4 =	vperm.xlane v3, v0;
	_ =	sdelay $0x1  }
0x2ba: {  	v3 =	vperm.xlane v3, v2;
	v4 =	vadd.s32 v1, v4;
	_ =	sdelay $0x1  }
0x2bb: {  	v3 =	vadd.s32 v1, v3;
	_ =	sdelay $0x1  }
0x2bc: {  	s23 =	simm.s32 $0xB100  }
0x2bd: {  	[tilespmem:s23], [sflag:$0x1] =	stream.indirect_vreg.gather [hbm4b:s1+s3], $0x80, v4, vm0, $0xb8;
	[tilespmem:$0x10100] =	vst v63  }
0x2be: {  	s10 =	simm.s32 $0xB900  }
0x2bf: {  	[tilespmem:s10], [sflag:$0x1] =	stream.indirect_vreg.gather [hbm4b:s1+s3], $0x80, v3, vm0, $0xb8;
	[tilespmem:$0x10100] =	vst v63  }
0x2c0: {  	v3 =	vld [tilespmem:$0xC0];
	_ =	sdelay $0x4  }
0x2c1: {  	v60 =	vshll.u32 v3, $0x1  }
0x2c2: {  	v3 =	vand.u32 $0x7, v3;
	v4 =	vand.u32 $0xFFFFFFF0, v60  }
0x2c3: {  	v3 =	vor.u32 v3, v4  }
0x2c4: {  	v4 =	vperm.xlane v3, v0;
	_ =	sdelay $0x1  }
0x2c5: {  	v3 =	vperm.xlane v3, v2;
	v4 =	vadd.s32 v1, v4;
	_ =	sdelay $0x1  }
0x2c6: {  	v3 =	vadd.s32 v1, v3;
	_ =	sdelay $0x1  }
0x2c7: {  	s25 =	simm.s32 $0xC100  }
0x2c8: {  	[tilespmem:s25], [sflag:$0x1] =	stream.indirect_vreg.gather [hbm4b:s1+s3], $0x80, v4, vm0, $0xb8;
	[tilespmem:$0x10100] =	vst v63  }
0x2c9: {  	s29 =	simm.s32 $0xC900  }
0x2ca: {  	[tilespmem:s29], [sflag:$0x1] =	stream.indirect_vreg.gather [hbm4b:s1+s3], $0x80, v3, vm0, $0xb8;
	[tilespmem:$0x10100] =	vst v63  }
0x2cb: {  	v3 =	vld [tilespmem:$0xD0];
	_ =	sdelay $0x4  }
0x2cc: {  	v61 =	vshll.u32 v3, $0x1  }
0x2cd: {  	v3 =	vand.u32 $0x7, v3;
	v4 =	vand.u32 $0xFFFFFFF0, v61  }
0x2ce: {  	v3 =	vor.u32 v3, v4  }
0x2cf: {  	v4 =	vperm.xlane v3, v0;
	_ =	sdelay $0x1  }
0x2d0: {  	v3 =	vperm.xlane v3, v2;
	v4 =	vadd.s32 v1, v4;
	_ =	sdelay $0x1  }
0x2d1: {  	v3 =	vadd.s32 v1, v3;
	_ =	sdelay $0x1  }
0x2d2: {  	s30 =	simm.s32 $0xD100  }
0x2d3: {  	[tilespmem:s30], [sflag:$0x1] =	stream.indirect_vreg.gather [hbm4b:s1+s3], $0x80, v4, vm0, $0xb8;
	[tilespmem:$0x10100] =	vst v63  }
0x2d4: {  	s29 =	simm.s32 $0xD900  }
0x2d5: {  	[tilespmem:s29], [sflag:$0x1] =	stream.indirect_vreg.gather [hbm4b:s1+s3], $0x80, v3, vm0, $0xb8;
	[tilespmem:$0x10100] =	vst v63  }
0x2d6: {  	v3 =	vld [tilespmem:$0xE0];
	_ =	sdelay $0x4  }
0x2d7: {  	v62 =	vshll.u32 v3, $0x1  }
0x2d8: {  	v3 =	vand.u32 $0x7, v3;
	v4 =	vand.u32 $0xFFFFFFF0, v62  }
0x2d9: {  	v3 =	vor.u32 v3, v4  }
0x2da: {  	v4 =	vperm.xlane v3, v0;
	_ =	sdelay $0x1  }
0x2db: {  	v3 =	vperm.xlane v3, v2;
	v4 =	vadd.s32 v1, v4;
	_ =	sdelay $0x1  }
0x2dc: {  	v3 =	vadd.s32 v1, v3;
	_ =	sdelay $0x1  }
0x2dd: {  	s31 =	simm.s32 $0xE100  }
0x2de: {  	[tilespmem:s31], [sflag:$0x1] =	stream.indirect_vreg.gather [hbm4b:s1+s3], $0x80, v4, vm0, $0xb8;
	[tilespmem:$0x10100] =	vst v63  }
0x2df: {  	s30 =	simm.s32 $0xE900  }
0x2e0: {  	[tilespmem:s30], [sflag:$0x1] =	stream.indirect_vreg.gather [hbm4b:s1+s3], $0x80, v3, vm0, $0xb8;
	[tilespmem:$0x10100] =	vst v63  }
0x2e1: {  	v3 =	vld [tilespmem:$0xF0];
	_ =	sdelay $0x4  }
0x2e2: {  	v63 =	vshll.u32 v3, $0x1  }
0x2e3: {  	v3 =	vand.u32 $0x7, v3;
	v4 =	vand.u32 $0xFFFFFFF0, v63  }
0x2e4: {  	v3 =	vor.u32 v3, v4  }
0x2e5: {  	v4 =	vperm.xlane v3, v0;
	_ =	sdelay $0x1  }
0x2e6: {  	v3 =	vperm.xlane v3, v2;
	v4 =	vadd.s32 v1, v4;
	_ =	sdelay $0x1  }
0x2e7: {  	v3 =	vadd.s32 v1, v3;
	_ =	sdelay $0x1  }
0x2e8: {  	s17 =	simm.s32 $0xF100  }
0x2e9: {  	[tilespmem:s17], [sflag:$0x1] =	stream.indirect_vreg.gather [hbm4b:s1+s3], $0x80, v4, vm0, $0xb8;
	[tilespmem:$0x10100] =	vst v63  }
0x2ea: {  	s24 =	simm.s32 $0xF900  }
0x2eb: {  	[tilespmem:s24], [sflag:$0x1] =	stream.indirect_vreg.gather [hbm4b:s1+s3], $0x80, v3, vm0, $0xb8;
	[tilespmem:$0x10100] =	vst v63  }
0x2ec: {  	_ =	swait.ge [sflag:s12], $0x10000  }
0x2ed: {  	p0 =	sne.s32 s4, $0x1;
	[sflag:s12] =	ssyncset.done $0x0  }
.Ltmp0:
0x2ee: {  	s31 =	rddreg [dreg:$0xb];
	[sflag:s12] =	ssyncadd.s32 $0xFFFF0000;
	(pc) =	sbr.rel @p0 .LBB2_1-.Ltmp0, $4  }
0x2ef: {  	[hbm4b:s31+s3] =	stream.linear.scatter [tilespmem:s28], [sflag:$0x2], $0x10000, $0x38;
	[tilespmem:$0x10100] =	vst v63  }
0x2f0: {  	_ =	swait.ge [sflag:s5], $0x10000  }
0x2f1: {  	[sflag:s5] =	ssyncset.done $0x0  }
0x2f2: {  	s4 =	sadd.s32 $0xFFFFFFFF, s4;
	[sflag:s5] =	ssyncadd.s32 $0xFFFF0000  }
0x2f3: {  	_ =	sfence.sel $0x180000  }
0x2f4: {  	[bflag:$0x0] =	sbarrier.arrive $0xFFFF  }
0x2f5: {  	_ =	strace $0x90000047  }
0x2f6: {  	s0 =	stileid.u32;
	[bflag:$0x2] =	sbarrier.arrive $0xFFFF  }
0x2f7: {  	p0 =	sne.s32 s0, $0x0;
	s0 =	rddreg [dreg:$0x3]  }
0x2f8: {  	s0 =	sadd.s32 @!p0 $0x100000, s0  }
0x2f9: {  	[sflag:s0] =	ssyncadd.tile.s32 @!p0 $0x1;
	_ =	shalt  }
.Lfunc_end2:
_tile_overlayer_lowered:
.L_overlay_start_2:
0x2fa: {  	(tag) =	ssettag $0x2  }
0x2fb: {  	s0 =	rddreg [dreg:$0x0];
	s2 =	stileid.u32  }
0x2fc: {  	s1 =	rddreg [dreg:$0x1];
	p0 =	sne.s32 s2, $0x0  }
0x2fd: {  	s3 =	rddreg [dreg:$0x2];
	[bflag:$0x3] =	sbarrier.arrive $0xFFFF;
	s2 =	simm.s32 @!p0 $0x1C02  }
0x2fe: {  	[timem:s3], [sflag:s2] =	dma.local @!p0 [hbm:s0], s1  }
0x2ff: {  	s0 =	simm.s32 @!p0 $0x2  }
0x300: {  	_ =	swait.ge @!p0 [sflag:s0], s1  }
0x301: {  	s1 =	ssub.s32 @!p0 $0x0, s1;
	[sflag:s0] =	ssyncset.done @!p0 $0x0  }
0x302: {  	[sflag:s0] =	ssyncadd.s32 @!p0 s1  }
0x303: {  	[bflag:$0x3] =	sbarrier.arrive $0xFFFF  }
0x304: {  	_ =	shalt  }

</sc_bundles>
